<compile_context>
chip_gen: v7x
topology: tpu7x:2x2x1
jax: 0.10.2.dev20260603
libtpu: 0.0.44.dev20260713+nightly
codegen_flags: <defaults>
</compile_context>

<pallas_src>
import functools

import jax
import jax.numpy as jnp
from jax import lax
from jax.experimental import pallas as pl
from jax.experimental.pallas import tpu as pltpu
from jax.experimental.pallas import tpu_sc as plsc

NC = 2
NS = 16
NW = NC * NS
CHUNK = 128
DEGW = 128
BLK = 2048


def _mm(a, w):
    return lax.dot_general(a, w, (((1,), (0,)), ((), ())),
                           preferred_element_type=jnp.float32)



def _tc1_body(x_ref, wp_ref, bp_ref, wl_ref, bl_ref, wr_ref,
              xp_ref, y1_ref, r1_ref):
    xb = x_ref[...]
    xp_ref[...] = jnp.maximum(_mm(xb, wp_ref[...]) + bp_ref[...], 0.0)
    y1_ref[...] = _mm(xb, wl_ref[...])
    r1_ref[...] = _mm(xb, wr_ref[...]) + bl_ref[...]


def _tc2_body(m_ref, deg_ref, xp_ref, r1_ref, wl_ref, bl_ref, wr_ref,
              h1_ref, y2_ref, r2_ref):
    rdeg = 1.0 / jnp.clip(deg_ref[0, :, 0:1] + deg_ref[1, :, 0:1], 1.0, None)
    h1 = jnp.maximum((m_ref[0] + m_ref[1]) * rdeg + r1_ref[...], 0.0)
    h1_ref[...] = h1
    xp = xp_ref[...]
    wl = wl_ref[...]
    wr = wr_ref[...]
    y2_ref[...] = _mm(xp, wl[0:128]) + _mm(h1, wl[128:256])
    r2_ref[...] = _mm(xp, wr[0:128]) + _mm(h1, wr[128:256]) + bl_ref[...]


def _tc3_body(m_ref, deg_ref, xp_ref, h1_ref, r2_ref, wl_ref, bl_ref, wr_ref,
              y3_ref, r3_ref):
    rdeg = 1.0 / jnp.clip(deg_ref[0, :, 0:1] + deg_ref[1, :, 0:1], 1.0, None)
    h2 = jnp.maximum((m_ref[0] + m_ref[1]) * rdeg + r2_ref[...], 0.0)
    xp = xp_ref[...]
    h1 = h1_ref[...]
    wl = wl_ref[...]
    wr = wr_ref[...]
    y3_ref[...] = (_mm(xp, wl[0:128]) + _mm(h1, wl[128:256])
                   + _mm(h2, wl[256:384]))
    r3_ref[...] = (_mm(xp, wr[0:128]) + _mm(h1, wr[128:256])
                   + _mm(h2, wr[256:384]) + bl_ref[...])


def _tc4_body(m_ref, deg_ref, r3_ref, h3_ref):
    rdeg = 1.0 / jnp.clip(deg_ref[0, :, 0:1] + deg_ref[1, :, 0:1], 1.0, None)
    h3_ref[...] = jnp.maximum((m_ref[0] + m_ref[1]) * rdeg + r3_ref[...], 0.0)


def _row_spec():
    return pl.BlockSpec((BLK, 128), lambda i: (i, 0))


def _full_spec(shape):
    nd = len(shape)
    return pl.BlockSpec(shape, lambda i: (0,) * nd)


def _part_spec(w):
    return pl.BlockSpec((2, BLK, w), lambda i: (0, i, 0))


def _tc_call(body, n_pad, in_specs, num_out):
    grid = n_pad // BLK
    out_shape = [jax.ShapeDtypeStruct((n_pad, 128), jnp.float32)] * num_out
    out_specs = [_row_spec()] * num_out
    return pl.pallas_call(
        body,
        grid=(grid,),
        in_specs=in_specs,
        out_specs=out_specs,
        out_shape=out_shape,
    )



def _mesh():
    return plsc.VectorSubcoreMesh(core_axis_name="c", subcore_axis_name="s",
                                  num_cores=NC, num_subcores=NS)


def _fill_rows(ref, nrows, ncols, value):
    @pl.loop(0, nrows)
    def _(r):
        for c in range(ncols // 16):
            ref[r, pl.ds(c * 16, 16)] = jnp.full((16,), value, jnp.float32)


def _seg_body(j_chunks, n_pad,
              y_hbm, src_hbm, dst_hbm, m_hbm,
              src_v, dst_v, rows_v, acc):
    cid = lax.axis_index("c")
    sid = lax.axis_index("s")
    wid = sid * NC + cid

    pltpu.sync_copy(src_hbm.at[wid], src_v)
    pltpu.sync_copy(dst_hbm.at[wid], dst_v)

    rows_per_tile = n_pad // NS
    sl = pl.ds(sid * rows_per_tile, rows_per_tile)
    _fill_rows(rows_v, CHUNK, 128, 0.0)

    @pl.loop(0, rows_per_tile // CHUNK)
    def _(k):
        pltpu.sync_copy(rows_v,
                        acc.at[pl.ds(sid * rows_per_tile + k * CHUNK, CHUNK)])

    plsc.subcore_barrier()

    @pl.loop(0, j_chunks)
    def _(j):
        pltpu.sync_copy(y_hbm.at[src_v.at[j]], rows_v)
        pltpu.sync_copy(rows_v, acc.at[dst_v.at[j]], add=True)

    plsc.subcore_barrier()

    pltpu.sync_copy(acc.at[sl], m_hbm.at[cid, sl])


def _make_seg(j_chunks, n_pad):
    scratch = [
        pltpu.VMEM((j_chunks, CHUNK), jnp.int32),
        pltpu.VMEM((j_chunks, CHUNK), jnp.int32),
        pltpu.VMEM((CHUNK, 128), jnp.float32),
        pltpu.VMEM_SHARED((n_pad, 128), jnp.float32),
    ]
    body = functools.partial(_seg_body, j_chunks, n_pad)
    return pl.kernel(body,
                     out_type=jax.ShapeDtypeStruct((NC, n_pad, 128),
                                                   jnp.float32),
                     mesh=_mesh(), scratch_types=tuple(scratch))


def _deg_body(j_chunks, n_pad,
              dst_hbm, deg_hbm,
              dst_v, ones_v, dega):
    cid = lax.axis_index("c")
    sid = lax.axis_index("s")
    wid = sid * NC + cid

    pltpu.sync_copy(dst_hbm.at[wid], dst_v)

    rows_per_tile = n_pad // NS
    sl = pl.ds(sid * rows_per_tile, rows_per_tile)
    _fill_rows(ones_v, CHUNK, DEGW, 0.0)

    @pl.loop(0, rows_per_tile // CHUNK)
    def _(k):
        pltpu.sync_copy(ones_v,
                        dega.at[pl.ds(sid * rows_per_tile + k * CHUNK, CHUNK)])

    _fill_rows(ones_v, CHUNK, DEGW, 1.0)
    plsc.subcore_barrier()

    @pl.loop(0, j_chunks)
    def _(j):
        pltpu.sync_copy(ones_v, dega.at[dst_v.at[j]], add=True)

    plsc.subcore_barrier()
    pltpu.sync_copy(dega.at[sl], deg_hbm.at[cid, sl])


def _make_deg(j_chunks, n_pad):
    scratch = [
        pltpu.VMEM((j_chunks, CHUNK), jnp.int32),
        pltpu.VMEM((CHUNK, DEGW), jnp.float32),
        pltpu.VMEM_SHARED((n_pad, DEGW), jnp.float32),
    ]
    body = functools.partial(_deg_body, j_chunks, n_pad)
    return pl.kernel(body,
                     out_type=jax.ShapeDtypeStruct((NC, n_pad, DEGW),
                                                   jnp.float32),
                     mesh=_mesh(), scratch_types=tuple(scratch))



def kernel(x, edge_index, Wp, bp, Wl1, bl1, Wr1, Wl2, bl2, Wr2, Wl3, bl3, Wr3):
    n, d = x.shape
    e = edge_index.shape[1]
    n_pad = ((n + BLK - 1) // BLK) * BLK
    per = NW * CHUNK
    j_chunks = (e + per - 1) // per
    e_pad = j_chunks * per

    src = edge_index[0]
    dst = edge_index[1]
    if e_pad != e:
        src = jnp.concatenate([src, jnp.zeros((e_pad - e,), jnp.int32)])
        dst = jnp.concatenate([dst, jnp.full((e_pad - e,), n, jnp.int32)])
    src_r = src.reshape(NW, j_chunks, CHUNK)
    dst_r = dst.reshape(NW, j_chunks, CHUNK)

    xpad = jnp.pad(x, ((0, n_pad - n), (0, 0)))
    bp2 = bp.reshape(1, 128)
    bl12 = bl1.reshape(1, 128)
    bl22 = bl2.reshape(1, 128)
    bl32 = bl3.reshape(1, 128)

    w128 = _full_spec((128, 128))
    w256 = _full_spec((256, 128))
    w384 = _full_spec((384, 128))
    b128 = _full_spec((1, 128))
    rows = _row_spec()
    mpart = _part_spec(128)
    dpart = _part_spec(DEGW)

    tc1 = _tc_call(_tc1_body, n_pad, [rows, w128, b128, w128, b128, w128], 3)
    xp, y1, r1 = tc1(xpad, Wp, bp2, Wl1, bl12, Wr1)

    deg = _make_deg(j_chunks, n_pad)
    degp = deg(dst_r)

    seg = _make_seg(j_chunks, n_pad)
    m1p = seg(y1, src_r, dst_r)

    tc2 = _tc_call(_tc2_body, n_pad,
                   [mpart, dpart, rows, rows, w256, b128, w256], 3)
    h1, y2, r2 = tc2(m1p, degp, xp, r1, Wl2, bl22, Wr2)

    m2p = seg(y2, src_r, dst_r)

    tc3 = _tc_call(_tc3_body, n_pad,
                   [mpart, dpart, rows, rows, rows, w384, b128, w384], 2)
    y3, r3 = tc3(m2p, degp, xp, h1, r2, Wl3, bl32, Wr3)

    m3p = seg(y3, src_r, dst_r)

    tc4 = _tc_call(_tc4_body, n_pad, [mpart, dpart, rows], 1)
    (h3,) = tc4(m3p, degp, r3)

    return h3[:n]

# --- scband reference (transcript-rebuilt; emitter-appended) ---
"""Pipeline reference for scband-dense-gcn-21869973471634 (READ-ONLY COPY).

The authoritative reference and input builder live on the scoring server;
editing this copy changes nothing except your own understanding.
"""

import jax, jax.numpy as jnp
import numpy as np

N = 10000
E = 320000
D = 128
H = 128


def _glorot(key, shape):
    fan_in = shape[0]
    lim = 1.0 / np.sqrt(fan_in)
    return jax.random.uniform(key, shape, dtype=jnp.float32, minval=-lim, maxval=lim)


def setup_inputs(seed: int = 0) -> dict:
    key = jax.random.key(seed)
    ks = jax.random.split(key, 16)
    inp = {}
    inp["x"] = jax.random.normal(ks[0], (N, D), dtype=jnp.float32)
    inp["edge_index"] = jax.random.randint(ks[1], (2, E), 0, N, dtype=jnp.int32)
    # proj: Linear(in_ft, out_ft_list[0])
    inp["Wp"] = _glorot(ks[2], (D, H))
    inp["bp"] = jnp.zeros((H,), dtype=jnp.float32)
    # conv1: SAGEConv(in_ft=128, out=128)
    inp["Wl1"] = _glorot(ks[3], (D, H))
    inp["bl1"] = jnp.zeros((H,), dtype=jnp.float32)
    inp["Wr1"] = _glorot(ks[4], (D, H))
    # conv2: SAGEConv(in=256, out=128)
    inp["Wl2"] = _glorot(ks[5], (2 * H, H))
    inp["bl2"] = jnp.zeros((H,), dtype=jnp.float32)
    inp["Wr2"] = _glorot(ks[6], (2 * H, H))
    # conv3: SAGEConv(in=384, out=128)
    inp["Wl3"] = _glorot(ks[7], (3 * H, H))
    inp["bl3"] = jnp.zeros((H,), dtype=jnp.float32)
    inp["Wr3"] = _glorot(ks[8], (3 * H, H))
    return inp


def _sage_mean(x, src, dst, Wl, bl, Wr):
    # PyG SAGEConv(aggr='mean'): out = lin_l(mean_j x_j) + lin_r(x)
    msgs = x[src]
    agg = jax.ops.segment_sum(msgs, dst, num_segments=N)
    deg = jax.ops.segment_sum(jnp.ones((src.shape[0],), dtype=x.dtype), dst, num_segments=N)
    mean = agg / jnp.clip(deg, 1.0)[:, None]
    return mean @ Wl + bl + x @ Wr


def reference(x, edge_index, Wp, bp, Wl1, bl1, Wr1, Wl2, bl2, Wr2, Wl3, bl3, Wr3):
    src = edge_index[0]
    dst = edge_index[1]
    act = jax.nn.relu
    x_p = act(x @ Wp + bp)
    h1 = act(_sage_mean(x, src, dst, Wl1, bl1, Wr1))
    in2 = jnp.concatenate([x_p, h1], axis=1)
    h2 = act(_sage_mean(in2, src, dst, Wl2, bl2, Wr2))
    in3 = jnp.concatenate([x_p, h1, h2], axis=1)
    h3 = act(_sage_mean(in3, src, dst, Wl3, bl3, Wr3))
    return h3

if __name__ == "__main__":
    import jax
    _d = setup_inputs()
    print(jax.jit(kernel)(*tuple(_d.values())))

</pallas_src>

<mosaic_0001>
#map = affine_map<(d0, d1) -> (0, 0)>
#map1 = affine_map<(d0, d1) -> (0, 0, 0)>
module attributes {stable_mosaic.version = 14 : i64} {
  func.func @_seg_body(%arg0: i32, %arg1: i32, %arg2: memref<10240x128xf32, #tpu.memory_space<hbm>>, %arg3: memref<32x79x128xi32, #tpu.memory_space<hbm>>, %arg4: memref<32x79x128xi32, #tpu.memory_space<hbm>>, %arg5: memref<2x10240x128xf32, #tpu.memory_space<hbm>>, %arg6: memref<79x128xi32, #tpu.memory_space<vmem>>, %arg7: memref<79x128xi32, #tpu.memory_space<vmem>>, %arg8: memref<128x128xf32, #tpu.memory_space<vmem>>, %arg9: memref<10240x128xf32, #tpu.memory_space<vmem_shared>>) attributes {dimension_semantics = [#tpu.dimension_semantics<core_parallel>, #tpu.dimension_semantics<subcore_parallel>], iteration_bounds = array<i64: 2, 16>, scalar_prefetch = 0 : i64, scratch_operands = 4 : i64, tpu.core_type = #tpu.core_type<sc_vector_subcore>, window_params = [{transform_indices = #map}, {transform_indices = #map1}, {transform_indices = #map1}, {transform_indices = #map1}]} {
    %mul3A = arith.constant 2 : i32
    %mul3A_0 = arith.muli %arg1, %mul3A : i32
    %add3A = arith.addi %mul3A_0, %arg0 : i32
    "tpu.region"() ({
      %run_scoped3A = tpu.sem_alloc : memref<!tpu.dma_semaphore, #tpu.memory_space<semaphore_mem>>
      %dma_start3A = arith.constant 0 : i32
      %dma_start3A_18 = arith.constant 0 : i32
      %dma_start3A_19 = tpu.memref_slice %arg3[%add3A, %dma_start3A, %dma_start3A_18] : memref<32x79x128xi32, #tpu.memory_space<hbm>> -> memref<1x79x128xi32, #tpu.memory_space<hbm>>
      %dma_start3A_20 = tpu.memref_squeeze %dma_start3A_19 : memref<1x79x128xi32, #tpu.memory_space<hbm>> -> memref<79x128xi32, #tpu.memory_space<hbm>>
      %dma_start3A_21 = arith.constant 0 : i32
      %dma_start3A_22 = arith.constant 0 : i32
      %dma_start3A_23 = tpu.memref_slice %arg3[%add3A, %dma_start3A_21, %dma_start3A_22] : memref<32x79x128xi32, #tpu.memory_space<hbm>> -> memref<1x79x128xi32, #tpu.memory_space<hbm>>
      %dma_start3A_24 = tpu.memref_squeeze %dma_start3A_23 : memref<1x79x128xi32, #tpu.memory_space<hbm>> -> memref<79x128xi32, #tpu.memory_space<hbm>>
      tpu.enqueue_dma source(%dma_start3A_24 : memref<79x128xi32, #tpu.memory_space<hbm>>) target(%arg6 : memref<79x128xi32, #tpu.memory_space<vmem>>) target_semaphore(%run_scoped3A : memref<!tpu.dma_semaphore, #tpu.memory_space<semaphore_mem>>)
      %dma_wait3A = arith.constant 0 : i32
      %dma_wait3A_25 = arith.constant 0 : i32
      %dma_wait3A_26 = tpu.memref_slice %arg3[%add3A, %dma_wait3A, %dma_wait3A_25] : memref<32x79x128xi32, #tpu.memory_space<hbm>> -> memref<1x79x128xi32, #tpu.memory_space<hbm>>
      %dma_wait3A_27 = tpu.memref_squeeze %dma_wait3A_26 : memref<1x79x128xi32, #tpu.memory_space<hbm>> -> memref<79x128xi32, #tpu.memory_space<hbm>>
      %dma_wait3A_28 = arith.constant 0 : i32
      %dma_wait3A_29 = arith.constant 0 : i32
      %dma_wait3A_30 = tpu.memref_slice %arg3[%add3A, %dma_wait3A_28, %dma_wait3A_29] : memref<32x79x128xi32, #tpu.memory_space<hbm>> -> memref<1x79x128xi32, #tpu.memory_space<hbm>>
      %dma_wait3A_31 = tpu.memref_squeeze %dma_wait3A_30 : memref<1x79x128xi32, #tpu.memory_space<hbm>> -> memref<79x128xi32, #tpu.memory_space<hbm>>
      tpu.wait_dma2 semaphore(%run_scoped3A : memref<!tpu.dma_semaphore, #tpu.memory_space<semaphore_mem>>) src(%dma_wait3A_31 : memref<79x128xi32, #tpu.memory_space<hbm>>) dst(%arg6 : memref<79x128xi32, #tpu.memory_space<vmem>>)
      tpu.yield
    }) : () -> ()
    "tpu.region"() ({
      %run_scoped3A = tpu.sem_alloc : memref<!tpu.dma_semaphore, #tpu.memory_space<semaphore_mem>>
      %dma_start3A = arith.constant 0 : i32
      %dma_start3A_18 = arith.constant 0 : i32
      %dma_start3A_19 = tpu.memref_slice %arg4[%add3A, %dma_start3A, %dma_start3A_18] : memref<32x79x128xi32, #tpu.memory_space<hbm>> -> memref<1x79x128xi32, #tpu.memory_space<hbm>>
      %dma_start3A_20 = tpu.memref_squeeze %dma_start3A_19 : memref<1x79x128xi32, #tpu.memory_space<hbm>> -> memref<79x128xi32, #tpu.memory_space<hbm>>
      %dma_start3A_21 = arith.constant 0 : i32
      %dma_start3A_22 = arith.constant 0 : i32
      %dma_start3A_23 = tpu.memref_slice %arg4[%add3A, %dma_start3A_21, %dma_start3A_22] : memref<32x79x128xi32, #tpu.memory_space<hbm>> -> memref<1x79x128xi32, #tpu.memory_space<hbm>>
      %dma_start3A_24 = tpu.memref_squeeze %dma_start3A_23 : memref<1x79x128xi32, #tpu.memory_space<hbm>> -> memref<79x128xi32, #tpu.memory_space<hbm>>
      tpu.enqueue_dma source(%dma_start3A_24 : memref<79x128xi32, #tpu.memory_space<hbm>>) target(%arg7 : memref<79x128xi32, #tpu.memory_space<vmem>>) target_semaphore(%run_scoped3A : memref<!tpu.dma_semaphore, #tpu.memory_space<semaphore_mem>>)
      %dma_wait3A = arith.constant 0 : i32
      %dma_wait3A_25 = arith.constant 0 : i32
      %dma_wait3A_26 = tpu.memref_slice %arg4[%add3A, %dma_wait3A, %dma_wait3A_25] : memref<32x79x128xi32, #tpu.memory_space<hbm>> -> memref<1x79x128xi32, #tpu.memory_space<hbm>>
      %dma_wait3A_27 = tpu.memref_squeeze %dma_wait3A_26 : memref<1x79x128xi32, #tpu.memory_space<hbm>> -> memref<79x128xi32, #tpu.memory_space<hbm>>
      %dma_wait3A_28 = arith.constant 0 : i32
      %dma_wait3A_29 = arith.constant 0 : i32
      %dma_wait3A_30 = tpu.memref_slice %arg4[%add3A, %dma_wait3A_28, %dma_wait3A_29] : memref<32x79x128xi32, #tpu.memory_space<hbm>> -> memref<1x79x128xi32, #tpu.memory_space<hbm>>
      %dma_wait3A_31 = tpu.memref_squeeze %dma_wait3A_30 : memref<1x79x128xi32, #tpu.memory_space<hbm>> -> memref<79x128xi32, #tpu.memory_space<hbm>>
      tpu.wait_dma2 semaphore(%run_scoped3A : memref<!tpu.dma_semaphore, #tpu.memory_space<semaphore_mem>>) src(%dma_wait3A_31 : memref<79x128xi32, #tpu.memory_space<hbm>>) dst(%arg7 : memref<79x128xi32, #tpu.memory_space<vmem>>)
      tpu.yield
    }) : () -> ()
    %mul3A_1 = arith.constant 640 : i32
    %mul3A_2 = arith.muli %arg1, %mul3A_1 : i32
    %scan3A = arith.constant 0 : i32
    %scan3A_3 = arith.constant 128 : i32
    %scan3A_4 = arith.addi %scan3A, %scan3A_3 : i32
    %scan3A_5 = arith.constant 1 : i32
    scf.for %scan3A_18 = %scan3A to %scan3A_4 step %scan3A_5  : i32 {
      %mul3A_19 = arith.constant 1 : i32
      %mul3A_20 = arith.muli %scan3A_18, %mul3A_19 : i32
      %add3A_21 = arith.constant 0 : i32
      %add3A_22 = arith.addi %add3A_21, %mul3A_20 : i32
      %broadcast_in_dim3A = arith.constant 0.000000e+00 : f32
      %broadcast_in_dim3A_23 = vector.broadcast %broadcast_in_dim3A : f32 to vector<16xf32>
      %swap3A = arith.index_cast %add3A_22 : i32 to index
      %swap3A_24 = arith.constant 0 : index
      %swap3A_25 = tpu.vector_load %arg8[%swap3A, %swap3A_24] {strides = array<i32>} : memref<128x128xf32, #tpu.memory_space<vmem>>, vector<1x16xf32>,
      %swap3A_26 = vector.shape_cast %swap3A_25 : vector<1x16xf32> to vector<16xf32>
      %swap3A_27 = vector.shape_cast %broadcast_in_dim3A_23 : vector<16xf32> to vector<1x16xf32>
      tpu.vector_store %arg8[%swap3A, %swap3A_24], %swap3A_27 {strides = array<i32>} : memref<128x128xf32, #tpu.memory_space<vmem>>, vector<1x16xf32>,
      %broadcast_in_dim3A_28 = arith.constant 0.000000e+00 : f32
      %broadcast_in_dim3A_29 = vector.broadcast %broadcast_in_dim3A_28 : f32 to vector<16xf32>
      %swap3A_30 = arith.index_cast %add3A_22 : i32 to index
      %swap3A_31 = arith.constant 16 : index
      %swap3A_32 = tpu.vector_load %arg8[%swap3A_30, %swap3A_31] {strides = array<i32>} : memref<128x128xf32, #tpu.memory_space<vmem>>, vector<1x16xf32>,
      %swap3A_33 = vector.shape_cast %swap3A_32 : vector<1x16xf32> to vector<16xf32>
      %swap3A_34 = vector.shape_cast %broadcast_in_dim3A_29 : vector<16xf32> to vector<1x16xf32>
      tpu.vector_store %arg8[%swap3A_30, %swap3A_31], %swap3A_34 {strides = array<i32>} : memref<128x128xf32, #tpu.memory_space<vmem>>, vector<1x16xf32>,
      %broadcast_in_dim3A_35 = arith.constant 0.000000e+00 : f32
      %broadcast_in_dim3A_36 = vector.broadcast %broadcast_in_dim3A_35 : f32 to vector<16xf32>
      %swap3A_37 = arith.index_cast %add3A_22 : i32 to index
      %swap3A_38 = arith.constant 32 : index
      %swap3A_39 = tpu.vector_load %arg8[%swap3A_37, %swap3A_38] {strides = array<i32>} : memref<128x128xf32, #tpu.memory_space<vmem>>, vector<1x16xf32>,
      %swap3A_40 = vector.shape_cast %swap3A_39 : vector<1x16xf32> to vector<16xf32>
      %swap3A_41 = vector.shape_cast %broadcast_in_dim3A_36 : vector<16xf32> to vector<1x16xf32>
      tpu.vector_store %arg8[%swap3A_37, %swap3A_38], %swap3A_41 {strides = array<i32>} : memref<128x128xf32, #tpu.memory_space<vmem>>, vector<1x16xf32>,
      %broadcast_in_dim3A_42 = arith.constant 0.000000e+00 : f32
      %broadcast_in_dim3A_43 = vector.broadcast %broadcast_in_dim3A_42 : f32 to vector<16xf32>
      %swap3A_44 = arith.index_cast %add3A_22 : i32 to index
      %swap3A_45 = arith.constant 48 : index
      %swap3A_46 = tpu.vector_load %arg8[%swap3A_44, %swap3A_45] {strides = array<i32>} : memref<128x128xf32, #tpu.memory_space<vmem>>, vector<1x16xf32>,
      %swap3A_47 = vector.shape_cast %swap3A_46 : vector<1x16xf32> to vector<16xf32>
      %swap3A_48 = vector.shape_cast %broadcast_in_dim3A_43 : vector<16xf32> to vector<1x16xf32>
      tpu.vector_store %arg8[%swap3A_44, %swap3A_45], %swap3A_48 {strides = array<i32>} : memref<128x128xf32, #tpu.memory_space<vmem>>, vector<1x16xf32>,
      %broadcast_in_dim3A_49 = arith.constant 0.000000e+00 : f32
      %broadcast_in_dim3A_50 = vector.broadcast %broadcast_in_dim3A_49 : f32 to vector<16xf32>
      %swap3A_51 = arith.index_cast %add3A_22 : i32 to index
      %swap3A_52 = arith.constant 64 : index
      %swap3A_53 = tpu.vector_load %arg8[%swap3A_51, %swap3A_52] {strides = array<i32>} : memref<128x128xf32, #tpu.memory_space<vmem>>, vector<1x16xf32>,
      %swap3A_54 = vector.shape_cast %swap3A_53 : vector<1x16xf32> to vector<16xf32>
      %swap3A_55 = vector.shape_cast %broadcast_in_dim3A_50 : vector<16xf32> to vector<1x16xf32>
      tpu.vector_store %arg8[%swap3A_51, %swap3A_52], %swap3A_55 {strides = array<i32>} : memref<128x128xf32, #tpu.memory_space<vmem>>, vector<1x16xf32>,
      %broadcast_in_dim3A_56 = arith.constant 0.000000e+00 : f32
      %broadcast_in_dim3A_57 = vector.broadcast %broadcast_in_dim3A_56 : f32 to vector<16xf32>
      %swap3A_58 = arith.index_cast %add3A_22 : i32 to index
      %swap3A_59 = arith.constant 80 : index
      %swap3A_60 = tpu.vector_load %arg8[%swap3A_58, %swap3A_59] {strides = array<i32>} : memref<128x128xf32, #tpu.memory_space<vmem>>, vector<1x16xf32>,
      %swap3A_61 = vector.shape_cast %swap3A_60 : vector<1x16xf32> to vector<16xf32>
      %swap3A_62 = vector.shape_cast %broadcast_in_dim3A_57 : vector<16xf32> to vector<1x16xf32>
      tpu.vector_store %arg8[%swap3A_58, %swap3A_59], %swap3A_62 {strides = array<i32>} : memref<128x128xf32, #tpu.memory_space<vmem>>, vector<1x16xf32>,
      %broadcast_in_dim3A_63 = arith.constant 0.000000e+00 : f32
      %broadcast_in_dim3A_64 = vector.broadcast %broadcast_in_dim3A_63 : f32 to vector<16xf32>
      %swap3A_65 = arith.index_cast %add3A_22 : i32 to index
      %swap3A_66 = arith.constant 96 : index
      %swap3A_67 = tpu.vector_load %arg8[%swap3A_65, %swap3A_66] {strides = array<i32>} : memref<128x128xf32, #tpu.memory_space<vmem>>, vector<1x16xf32>,
      %swap3A_68 = vector.shape_cast %swap3A_67 : vector<1x16xf32> to vector<16xf32>
      %swap3A_69 = vector.shape_cast %broadcast_in_dim3A_64 : vector<16xf32> to vector<1x16xf32>
      tpu.vector_store %arg8[%swap3A_65, %swap3A_66], %swap3A_69 {strides = array<i32>} : memref<128x128xf32, #tpu.memory_space<vmem>>, vector<1x16xf32>,
      %broadcast_in_dim3A_70 = arith.constant 0.000000e+00 : f32
      %broadcast_in_dim3A_71 = vector.broadcast %broadcast_in_dim3A_70 : f32 to vector<16xf32>
      %swap3A_72 = arith.index_cast %add3A_22 : i32 to index
      %swap3A_73 = arith.constant 112 : index
      %swap3A_74 = tpu.vector_load %arg8[%swap3A_72, %swap3A_73] {strides = array<i32>} : memref<128x128xf32, #tpu.memory_space<vmem>>, vector<1x16xf32>,
      %swap3A_75 = vector.shape_cast %swap3A_74 : vector<1x16xf32> to vector<16xf32>
      %swap3A_76 = vector.shape_cast %broadcast_in_dim3A_71 : vector<16xf32> to vector<1x16xf32>
      tpu.vector_store %arg8[%swap3A_72, %swap3A_73], %swap3A_76 {strides = array<i32>} : memref<128x128xf32, #tpu.memory_space<vmem>>, vector<1x16xf32>,
    }
    %scan3A_6 = arith.constant 128 : i32
    %scan3A_7 = arith.constant 0 : i32
    %scan3A_8 = arith.constant 5 : i32
    %scan3A_9 = arith.addi %scan3A_7, %scan3A_8 : i32
    %scan3A_10 = arith.constant 1 : i32
    scf.for %scan3A_18 = %scan3A_7 to %scan3A_9 step %scan3A_10  : i32 {
      %mul3A_19 = arith.constant 1 : i32
      %mul3A_20 = arith.muli %scan3A_18, %mul3A_19 : i32
      %add3A_21 = arith.constant 0 : i32
      %add3A_22 = arith.addi %add3A_21, %mul3A_20 : i32
      %mul3A_23 = arith.constant 640 : i32
      %mul3A_24 = arith.muli %arg1, %mul3A_23 : i32
      %mul3A_25 = arith.constant 128 : i32
      %mul3A_26 = arith.muli %add3A_22, %mul3A_25 : i32
      %add3A_27 = arith.addi %mul3A_24, %mul3A_26 : i32
      "tpu.region"() ({
        %run_scoped3A = tpu.sem_alloc : memref<!tpu.dma_semaphore, #tpu.memory_space<semaphore_mem>>
        %dma_start3A = arith.constant 0 : i32
        %dma_start3A_28 = tpu.memref_slice %arg9[%add3A_27, %dma_start3A] : memref<10240x128xf32, #tpu.memory_space<vmem_shared>> -> memref<128x128xf32, #tpu.memory_space<vmem_shared>>
        %dma_start3A_29 = arith.constant 0 : i32
        %dma_start3A_30 = tpu.memref_slice %arg9[%add3A_27, %dma_start3A_29] : memref<10240x128xf32, #tpu.memory_space<vmem_shared>> -> memref<128x128xf32, #tpu.memory_space<vmem_shared>>
        tpu.enqueue_dma source(%arg8 : memref<128x128xf32, #tpu.memory_space<vmem>>) target(%dma_start3A_30 : memref<128x128xf32, #tpu.memory_space<vmem_shared>>) target_semaphore(%run_scoped3A : memref<!tpu.dma_semaphore, #tpu.memory_space<semaphore_mem>>)
        %dma_wait3A = arith.constant 0 : i32
        %dma_wait3A_31 = tpu.memref_slice %arg9[%add3A_27, %dma_wait3A] : memref<10240x128xf32, #tpu.memory_space<vmem_shared>> -> memref<128x128xf32, #tpu.memory_space<vmem_shared>>
        %dma_wait3A_32 = arith.constant 0 : i32
        %dma_wait3A_33 = tpu.memref_slice %arg9[%add3A_27, %dma_wait3A_32] : memref<10240x128xf32, #tpu.memory_space<vmem_shared>> -> memref<128x128xf32, #tpu.memory_space<vmem_shared>>
        tpu.wait_dma2 semaphore(%run_scoped3A : memref<!tpu.dma_semaphore, #tpu.memory_space<semaphore_mem>>) src(%arg8 : memref<128x128xf32, #tpu.memory_space<vmem>>) dst(%dma_wait3A_33 : memref<128x128xf32, #tpu.memory_space<vmem_shared>>)
        tpu.yield
      }) : () -> ()
    }
    %scan3A_11 = arith.constant 5 : i32
    %barrier3A = arith.constant 0 : index
    tpu.barrier barrier_id(%barrier3A)
    %scan3A_12 = arith.constant 0 : i32
    %scan3A_13 = arith.constant 79 : i32
    %scan3A_14 = arith.addi %scan3A_12, %scan3A_13 : i32
    %scan3A_15 = arith.constant 1 : i32
    scf.for %scan3A_18 = %scan3A_12 to %scan3A_14 step %scan3A_15  : i32 {
      %mul3A_19 = arith.constant 1 : i32
      %mul3A_20 = arith.muli %scan3A_18, %mul3A_19 : i32
      %add3A_21 = arith.constant 0 : i32
      %add3A_22 = arith.addi %add3A_21, %mul3A_20 : i32
      "tpu.region"() ({
        %run_scoped3A = tpu.sem_alloc : memref<!tpu.dma_semaphore, #tpu.memory_space<semaphore_mem>>
        %dma_start3A = arith.constant 0 : i32
        %dma_start3A_23 = tpu.memref_slice %arg6[%add3A_22, %dma_start3A] : memref<79x128xi32, #tpu.memory_space<vmem>> -> memref<1x128xi32, #tpu.memory_space<vmem>>
        %dma_start3A_24 = tpu.memref_squeeze %dma_start3A_23 : memref<1x128xi32, #tpu.memory_space<vmem>> -> memref<128xi32, #tpu.memory_space<vmem>>
        %dma_start3A_25 = arith.constant 0 : i32
        %dma_start3A_26 = arith.constant 0 : i32
        %dma_start3A_27 = tpu.memref_slice %arg2[%dma_start3A_25, %dma_start3A_26] : memref<10240x128xf32, #tpu.memory_space<hbm>> -> memref<10240x128xf32, #tpu.memory_space<hbm>>
        tpu.enqueue_indirect_dma source(%dma_start3A_27 : memref<10240x128xf32, #tpu.memory_space<hbm>>) target(%arg8 : memref<128x128xf32, #tpu.memory_space<vmem>>) offsets(%dma_start3A_24 : memref<128xi32, #tpu.memory_space<vmem>>) semaphore(%run_scoped3A : memref<!tpu.dma_semaphore, #tpu.memory_space<semaphore_mem>>)
        %dma_wait3A = arith.constant 0 : i32
        %dma_wait3A_28 = tpu.memref_slice %arg6[%add3A_22, %dma_wait3A] : memref<79x128xi32, #tpu.memory_space<vmem>> -> memref<1x128xi32, #tpu.memory_space<vmem>>
        %dma_wait3A_29 = tpu.memref_squeeze %dma_wait3A_28 : memref<1x128xi32, #tpu.memory_space<vmem>> -> memref<128xi32, #tpu.memory_space<vmem>>
        %dma_wait3A_30 = arith.constant 0 : i32
        %dma_wait3A_31 = arith.constant 0 : i32
        %dma_wait3A_32 = tpu.memref_slice %arg2[%dma_wait3A_30, %dma_wait3A_31] : memref<10240x128xf32, #tpu.memory_space<hbm>> -> memref<10240x128xf32, #tpu.memory_space<hbm>>
        tpu.wait_indirect_dma semaphore(%run_scoped3A : memref<!tpu.dma_semaphore, #tpu.memory_space<semaphore_mem>>) src(%dma_wait3A_32 : memref<10240x128xf32, #tpu.memory_space<hbm>>) dst(%arg8 : memref<128x128xf32, #tpu.memory_space<vmem>>)
        tpu.yield
      }) : () -> ()
      "tpu.region"() ({
        %run_scoped3A = tpu.sem_alloc : memref<!tpu.dma_semaphore, #tpu.memory_space<semaphore_mem>>
        %dma_start3A = arith.constant 0 : i32
        %dma_start3A_23 = tpu.memref_slice %arg7[%add3A_22, %dma_start3A] : memref<79x128xi32, #tpu.memory_space<vmem>> -> memref<1x128xi32, #tpu.memory_space<vmem>>
        %dma_start3A_24 = tpu.memref_squeeze %dma_start3A_23 : memref<1x128xi32, #tpu.memory_space<vmem>> -> memref<128xi32, #tpu.memory_space<vmem>>
        %dma_start3A_25 = arith.constant 0 : i32
        %dma_start3A_26 = arith.constant 0 : i32
        %dma_start3A_27 = tpu.memref_slice %arg9[%dma_start3A_25, %dma_start3A_26] : memref<10240x128xf32, #tpu.memory_space<vmem_shared>> -> memref<10240x128xf32, #tpu.memory_space<vmem_shared>>
        tpu.enqueue_indirect_dma source(%arg8 : memref<128x128xf32, #tpu.memory_space<vmem>>) target(%dma_start3A_27 : memref<10240x128xf32, #tpu.memory_space<vmem_shared>>) offsets(%dma_start3A_24 : memref<128xi32, #tpu.memory_space<vmem>>) semaphore(%run_scoped3A : memref<!tpu.dma_semaphore, #tpu.memory_space<semaphore_mem>>) {add = true}
        %dma_wait3A = arith.constant 0 : i32
        %dma_wait3A_28 = tpu.memref_slice %arg7[%add3A_22, %dma_wait3A] : memref<79x128xi32, #tpu.memory_space<vmem>> -> memref<1x128xi32, #tpu.memory_space<vmem>>
        %dma_wait3A_29 = tpu.memref_squeeze %dma_wait3A_28 : memref<1x128xi32, #tpu.memory_space<vmem>> -> memref<128xi32, #tpu.memory_space<vmem>>
        %dma_wait3A_30 = arith.constant 0 : i32
        %dma_wait3A_31 = arith.constant 0 : i32
        %dma_wait3A_32 = tpu.memref_slice %arg9[%dma_wait3A_30, %dma_wait3A_31] : memref<10240x128xf32, #tpu.memory_space<vmem_shared>> -> memref<10240x128xf32, #tpu.memory_space<vmem_shared>>
        tpu.wait_indirect_dma semaphore(%run_scoped3A : memref<!tpu.dma_semaphore, #tpu.memory_space<semaphore_mem>>) src(%arg8 : memref<128x128xf32, #tpu.memory_space<vmem>>) dst(%dma_wait3A_32 : memref<10240x128xf32, #tpu.memory_space<vmem_shared>>)
        tpu.yield
      }) : () -> ()
    }
    %scan3A_16 = arith.constant 79 : i32
    %barrier3A_17 = arith.constant 0 : index
    tpu.barrier barrier_id(%barrier3A_17)
    "tpu.region"() ({
      %run_scoped3A = tpu.sem_alloc : memref<!tpu.dma_semaphore, #tpu.memory_space<semaphore_mem>>
      %dma_start3A = arith.constant 0 : i32
      %dma_start3A_18 = tpu.memref_slice %arg5[%arg0, %mul3A_2, %dma_start3A] : memref<2x10240x128xf32, #tpu.memory_space<hbm>> -> memref<1x640x128xf32, #tpu.memory_space<hbm>>
      %dma_start3A_19 = tpu.memref_squeeze %dma_start3A_18 : memref<1x640x128xf32, #tpu.memory_space<hbm>> -> memref<640x128xf32, #tpu.memory_space<hbm>>
      %dma_start3A_20 = arith.constant 0 : i32
      %dma_start3A_21 = tpu.memref_slice %arg9[%mul3A_2, %dma_start3A_20] : memref<10240x128xf32, #tpu.memory_space<vmem_shared>> -> memref<640x128xf32, #tpu.memory_space<vmem_shared>>
      tpu.enqueue_dma source(%dma_start3A_21 : memref<640x128xf32, #tpu.memory_space<vmem_shared>>) target(%dma_start3A_19 : memref<640x128xf32, #tpu.memory_space<hbm>>) target_semaphore(%run_scoped3A : memref<!tpu.dma_semaphore, #tpu.memory_space<semaphore_mem>>)
      %dma_wait3A = arith.constant 0 : i32
      %dma_wait3A_22 = tpu.memref_slice %arg5[%arg0, %mul3A_2, %dma_wait3A] : memref<2x10240x128xf32, #tpu.memory_space<hbm>> -> memref<1x640x128xf32, #tpu.memory_space<hbm>>
      %dma_wait3A_23 = tpu.memref_squeeze %dma_wait3A_22 : memref<1x640x128xf32, #tpu.memory_space<hbm>> -> memref<640x128xf32, #tpu.memory_space<hbm>>
      %dma_wait3A_24 = arith.constant 0 : i32
      %dma_wait3A_25 = tpu.memref_slice %arg9[%mul3A_2, %dma_wait3A_24] : memref<10240x128xf32, #tpu.memory_space<vmem_shared>> -> memref<640x128xf32, #tpu.memory_space<vmem_shared>>
      tpu.wait_dma2 semaphore(%run_scoped3A : memref<!tpu.dma_semaphore, #tpu.memory_space<semaphore_mem>>) src(%dma_wait3A_25 : memref<640x128xf32, #tpu.memory_space<vmem_shared>>) dst(%dma_wait3A_23 : memref<640x128xf32, #tpu.memory_space<hbm>>)
      tpu.yield
    }) : () -> ()
    return
  }
}

#map = affine_map<(d0, d1) -> (0, 0)>
#map1 = affine_map<(d0, d1) -> (0, 0, 0)>
module attributes {stable_mosaic.version = 14 : i64} {
  func.func @_seg_body(%arg0: i32, %arg1: i32, %arg2: memref<10240x128xf32, #tpu.memory_space<hbm>>, %arg3: memref<32x79x128xi32, #tpu.memory_space<hbm>>, %arg4: memref<32x79x128xi32, #tpu.memory_space<hbm>>, %arg5: memref<2x10240x128xf32, #tpu.memory_space<hbm>>, %arg6: memref<79x128xi32, #tpu.memory_space<vmem>>, %arg7: memref<79x128xi32, #tpu.memory_space<vmem>>, %arg8: memref<128x128xf32, #tpu.memory_space<vmem>>, %arg9: memref<10240x128xf32, #tpu.memory_space<vmem_shared>>) attributes {dimension_semantics = [#tpu.dimension_semantics<core_parallel>, #tpu.dimension_semantics<subcore_parallel>], iteration_bounds = array<i64: 2, 16>, scalar_prefetch = 0 : i64, scratch_operands = 4 : i64, tpu.core_type = #tpu.core_type<sc_vector_subcore>, window_params = [{transform_indices = #map}, {transform_indices = #map1}, {transform_indices = #map1}, {transform_indices = #map1}]} {
    %mul3A = arith.constant 2 : i32
    %mul3A_0 = arith.muli %arg1, %mul3A : i32
    %add3A = arith.addi %mul3A_0, %arg0 : i32
    "tpu.region"() ({
      %run_scoped3A = tpu.sem_alloc : memref<!tpu.dma_semaphore, #tpu.memory_space<semaphore_mem>>
      %dma_start3A = arith.constant 0 : i32
      %dma_start3A_18 = arith.constant 0 : i32
      %dma_start3A_19 = tpu.memref_slice %arg3[%add3A, %dma_start3A, %dma_start3A_18] : memref<32x79x128xi32, #tpu.memory_space<hbm>> -> memref<1x79x128xi32, #tpu.memory_space<hbm>>
      %dma_start3A_20 = tpu.memref_squeeze %dma_start3A_19 : memref<1x79x128xi32, #tpu.memory_space<hbm>> -> memref<79x128xi32, #tpu.memory_space<hbm>>
      %dma_start3A_21 = arith.constant 0 : i32
      %dma_start3A_22 = arith.constant 0 : i32
      %dma_start3A_23 = tpu.memref_slice %arg3[%add3A, %dma_start3A_21, %dma_start3A_22] : memref<32x79x128xi32, #tpu.memory_space<hbm>> -> memref<1x79x128xi32, #tpu.memory_space<hbm>>
      %dma_start3A_24 = tpu.memref_squeeze %dma_start3A_23 : memref<1x79x128xi32, #tpu.memory_space<hbm>> -> memref<79x128xi32, #tpu.memory_space<hbm>>
      tpu.enqueue_dma source(%dma_start3A_24 : memref<79x128xi32, #tpu.memory_space<hbm>>) target(%arg6 : memref<79x128xi32, #tpu.memory_space<vmem>>) target_semaphore(%run_scoped3A : memref<!tpu.dma_semaphore, #tpu.memory_space<semaphore_mem>>)
      %dma_wait3A = arith.constant 0 : i32
      %dma_wait3A_25 = arith.constant 0 : i32
      %dma_wait3A_26 = tpu.memref_slice %arg3[%add3A, %dma_wait3A, %dma_wait3A_25] : memref<32x79x128xi32, #tpu.memory_space<hbm>> -> memref<1x79x128xi32, #tpu.memory_space<hbm>>
      %dma_wait3A_27 = tpu.memref_squeeze %dma_wait3A_26 : memref<1x79x128xi32, #tpu.memory_space<hbm>> -> memref<79x128xi32, #tpu.memory_space<hbm>>
      %dma_wait3A_28 = arith.constant 0 : i32
      %dma_wait3A_29 = arith.constant 0 : i32
      %dma_wait3A_30 = tpu.memref_slice %arg3[%add3A, %dma_wait3A_28, %dma_wait3A_29] : memref<32x79x128xi32, #tpu.memory_space<hbm>> -> memref<1x79x128xi32, #tpu.memory_space<hbm>>
      %dma_wait3A_31 = tpu.memref_squeeze %dma_wait3A_30 : memref<1x79x128xi32, #tpu.memory_space<hbm>> -> memref<79x128xi32, #tpu.memory_space<hbm>>
      tpu.wait_dma2 semaphore(%run_scoped3A : memref<!tpu.dma_semaphore, #tpu.memory_space<semaphore_mem>>) src(%dma_wait3A_31 : memref<79x128xi32, #tpu.memory_space<hbm>>) dst(%arg6 : memref<79x128xi32, #tpu.memory_space<vmem>>)
      tpu.yield
    }) : () -> ()
    "tpu.region"() ({
      %run_scoped3A = tpu.sem_alloc : memref<!tpu.dma_semaphore, #tpu.memory_space<semaphore_mem>>
      %dma_start3A = arith.constant 0 : i32
      %dma_start3A_18 = arith.constant 0 : i32
      %dma_start3A_19 = tpu.memref_slice %arg4[%add3A, %dma_start3A, %dma_start3A_18] : memref<32x79x128xi32, #tpu.memory_space<hbm>> -> memref<1x79x128xi32, #tpu.memory_space<hbm>>
      %dma_start3A_20 = tpu.memref_squeeze %dma_start3A_19 : memref<1x79x128xi32, #tpu.memory_space<hbm>> -> memref<79x128xi32, #tpu.memory_space<hbm>>
      %dma_start3A_21 = arith.constant 0 : i32
      %dma_start3A_22 = arith.constant 0 : i32
      %dma_start3A_23 = tpu.memref_slice %arg4[%add3A, %dma_start3A_21, %dma_start3A_22] : memref<32x79x128xi32, #tpu.memory_space<hbm>> -> memref<1x79x128xi32, #tpu.memory_space<hbm>>
      %dma_start3A_24 = tpu.memref_squeeze %dma_start3A_23 : memref<1x79x128xi32, #tpu.memory_space<hbm>> -> memref<79x128xi32, #tpu.memory_space<hbm>>
      tpu.enqueue_dma source(%dma_start3A_24 : memref<79x128xi32, #tpu.memory_space<hbm>>) target(%arg7 : memref<79x128xi32, #tpu.memory_space<vmem>>) target_semaphore(%run_scoped3A : memref<!tpu.dma_semaphore, #tpu.memory_space<semaphore_mem>>)
      %dma_wait3A = arith.constant 0 : i32
      %dma_wait3A_25 = arith.constant 0 : i32
      %dma_wait3A_26 = tpu.memref_slice %arg4[%add3A, %dma_wait3A, %dma_wait3A_25] : memref<32x79x128xi32, #tpu.memory_space<hbm>> -> memref<1x79x128xi32, #tpu.memory_space<hbm>>
      %dma_wait3A_27 = tpu.memref_squeeze %dma_wait3A_26 : memref<1x79x128xi32, #tpu.memory_space<hbm>> -> memref<79x128xi32, #tpu.memory_space<hbm>>
      %dma_wait3A_28 = arith.constant 0 : i32
      %dma_wait3A_29 = arith.constant 0 : i32
      %dma_wait3A_30 = tpu.memref_slice %arg4[%add3A, %dma_wait3A_28, %dma_wait3A_29] : memref<32x79x128xi32, #tpu.memory_space<hbm>> -> memref<1x79x128xi32, #tpu.memory_space<hbm>>
      %dma_wait3A_31 = tpu.memref_squeeze %dma_wait3A_30 : memref<1x79x128xi32, #tpu.memory_space<hbm>> -> memref<79x128xi32, #tpu.memory_space<hbm>>
      tpu.wait_dma2 semaphore(%run_scoped3A : memref<!tpu.dma_semaphore, #tpu.memory_space<semaphore_mem>>) src(%dma_wait3A_31 : memref<79x128xi32, #tpu.memory_space<hbm>>) dst(%arg7 : memref<79x128xi32, #tpu.memory_space<vmem>>)
      tpu.yield
    }) : () -> ()
    %mul3A_1 = arith.constant 640 : i32
    %mul3A_2 = arith.muli %arg1, %mul3A_1 : i32
    %scan3A = arith.constant 0 : i32
    %scan3A_3 = arith.constant 128 : i32
    %scan3A_4 = arith.addi %scan3A, %scan3A_3 : i32
    %scan3A_5 = arith.constant 1 : i32
    scf.for %scan3A_18 = %scan3A to %scan3A_4 step %scan3A_5  : i32 {
      %mul3A_19 = arith.constant 1 : i32
      %mul3A_20 = arith.muli %scan3A_18, %mul3A_19 : i32
      %add3A_21 = arith.constant 0 : i32
      %add3A_22 = arith.addi %add3A_21, %mul3A_20 : i32
      %broadcast_in_dim3A = arith.constant 0.000000e+00 : f32
      %broadcast_in_dim3A_23 = vector.broadcast %broadcast_in_dim3A : f32 to vector<16xf32>
      %swap3A = arith.index_cast %add3A_22 : i32 to index
      %swap3A_24 = arith.constant 0 : index
      %swap3A_25 = tpu.vector_load %arg8[%swap3A, %swap3A_24] {strides = array<i32>} : memref<128x128xf32, #tpu.memory_space<vmem>>, vector<1x16xf32>,
      %swap3A_26 = vector.shape_cast %swap3A_25 : vector<1x16xf32> to vector<16xf32>
      %swap3A_27 = vector.shape_cast %broadcast_in_dim3A_23 : vector<16xf32> to vector<1x16xf32>
      tpu.vector_store %arg8[%swap3A, %swap3A_24], %swap3A_27 {strides = array<i32>} : memref<128x128xf32, #tpu.memory_space<vmem>>, vector<1x16xf32>,
      %broadcast_in_dim3A_28 = arith.constant 0.000000e+00 : f32
      %broadcast_in_dim3A_29 = vector.broadcast %broadcast_in_dim3A_28 : f32 to vector<16xf32>
      %swap3A_30 = arith.index_cast %add3A_22 : i32 to index
      %swap3A_31 = arith.constant 16 : index
      %swap3A_32 = tpu.vector_load %arg8[%swap3A_30, %swap3A_31] {strides = array<i32>} : memref<128x128xf32, #tpu.memory_space<vmem>>, vector<1x16xf32>,
      %swap3A_33 = vector.shape_cast %swap3A_32 : vector<1x16xf32> to vector<16xf32>
      %swap3A_34 = vector.shape_cast %broadcast_in_dim3A_29 : vector<16xf32> to vector<1x16xf32>
      tpu.vector_store %arg8[%swap3A_30, %swap3A_31], %swap3A_34 {strides = array<i32>} : memref<128x128xf32, #tpu.memory_space<vmem>>, vector<1x16xf32>,
      %broadcast_in_dim3A_35 = arith.constant 0.000000e+00 : f32
      %broadcast_in_dim3A_36 = vector.broadcast %broadcast_in_dim3A_35 : f32 to vector<16xf32>
      %swap3A_37 = arith.index_cast %add3A_22 : i32 to index
      %swap3A_38 = arith.constant 32 : index
      %swap3A_39 = tpu.vector_load %arg8[%swap3A_37, %swap3A_38] {strides = array<i32>} : memref<128x128xf32, #tpu.memory_space<vmem>>, vector<1x16xf32>,
      %swap3A_40 = vector.shape_cast %swap3A_39 : vector<1x16xf32> to vector<16xf32>
      %swap3A_41 = vector.shape_cast %broadcast_in_dim3A_36 : vector<16xf32> to vector<1x16xf32>
      tpu.vector_store %arg8[%swap3A_37, %swap3A_38], %swap3A_41 {strides = array<i32>} : memref<128x128xf32, #tpu.memory_space<vmem>>, vector<1x16xf32>,
      %broadcast_in_dim3A_42 = arith.constant 0.000000e+00 : f32
      %broadcast_in_dim3A_43 = vector.broadcast %broadcast_in_dim3A_42 : f32 to vector<16xf32>
      %swap3A_44 = arith.index_cast %add3A_22 : i32 to index
      %swap3A_45 = arith.constant 48 : index
      %swap3A_46 = tpu.vector_load %arg8[%swap3A_44, %swap3A_45] {strides = array<i32>} : memref<128x128xf32, #tpu.memory_space<vmem>>, vector<1x16xf32>,
      %swap3A_47 = vector.shape_cast %swap3A_46 : vector<1x16xf32> to vector<16xf32>
      %swap3A_48 = vector.shape_cast %broadcast_in_dim3A_43 : vector<16xf32> to vector<1x16xf32>
      tpu.vector_store %arg8[%swap3A_44, %swap3A_45], %swap3A_48 {strides = array<i32>} : memref<128x128xf32, #tpu.memory_space<vmem>>, vector<1x16xf32>,
      %broadcast_in_dim3A_49 = arith.constant 0.000000e+00 : f32
      %broadcast_in_dim3A_50 = vector.broadcast %broadcast_in_dim3A_49 : f32 to vector<16xf32>
      %swap3A_51 = arith.index_cast %add3A_22 : i32 to index
      %swap3A_52 = arith.constant 64 : index
      %swap3A_53 = tpu.vector_load %arg8[%swap3A_51, %swap3A_52] {strides = array<i32>} : memref<128x128xf32, #tpu.memory_space<vmem>>, vector<1x16xf32>,
      %swap3A_54 = vector.shape_cast %swap3A_53 : vector<1x16xf32> to vector<16xf32>
      %swap3A_55 = vector.shape_cast %broadcast_in_dim3A_50 : vector<16xf32> to vector<1x16xf32>
      tpu.vector_store %arg8[%swap3A_51, %swap3A_52], %swap3A_55 {strides = array<i32>} : memref<128x128xf32, #tpu.memory_space<vmem>>, vector<1x16xf32>,
      %broadcast_in_dim3A_56 = arith.constant 0.000000e+00 : f32
      %broadcast_in_dim3A_57 = vector.broadcast %broadcast_in_dim3A_56 : f32 to vector<16xf32>
      %swap3A_58 = arith.index_cast %add3A_22 : i32 to index
      %swap3A_59 = arith.constant 80 : index
      %swap3A_60 = tpu.vector_load %arg8[%swap3A_58, %swap3A_59] {strides = array<i32>} : memref<128x128xf32, #tpu.memory_space<vmem>>, vector<1x16xf32>,
      %swap3A_61 = vector.shape_cast %swap3A_60 : vector<1x16xf32> to vector<16xf32>
      %swap3A_62 = vector.shape_cast %broadcast_in_dim3A_57 : vector<16xf32> to vector<1x16xf32>
      tpu.vector_store %arg8[%swap3A_58, %swap3A_59], %swap3A_62 {strides = array<i32>} : memref<128x128xf32, #tpu.memory_space<vmem>>, vector<1x16xf32>,
      %broadcast_in_dim3A_63 = arith.constant 0.000000e+00 : f32
      %broadcast_in_dim3A_64 = vector.broadcast %broadcast_in_dim3A_63 : f32 to vector<16xf32>
      %swap3A_65 = arith.index_cast %add3A_22 : i32 to index
      %swap3A_66 = arith.constant 96 : index
      %swap3A_67 = tpu.vector_load %arg8[%swap3A_65, %swap3A_66] {strides = array<i32>} : memref<128x128xf32, #tpu.memory_space<vmem>>, vector<1x16xf32>,
      %swap3A_68 = vector.shape_cast %swap3A_67 : vector<1x16xf32> to vector<16xf32>
      %swap3A_69 = vector.shape_cast %broadcast_in_dim3A_64 : vector<16xf32> to vector<1x16xf32>
      tpu.vector_store %arg8[%swap3A_65, %swap3A_66], %swap3A_69 {strides = array<i32>} : memref<128x128xf32, #tpu.memory_space<vmem>>, vector<1x16xf32>,
      %broadcast_in_dim3A_70 = arith.constant 0.000000e+00 : f32
      %broadcast_in_dim3A_71 = vector.broadcast %broadcast_in_dim3A_70 : f32 to vector<16xf32>
      %swap3A_72 = arith.index_cast %add3A_22 : i32 to index
      %swap3A_73 = arith.constant 112 : index
      %swap3A_74 = tpu.vector_load %arg8[%swap3A_72, %swap3A_73] {strides = array<i32>} : memref<128x128xf32, #tpu.memory_space<vmem>>, vector<1x16xf32>,
      %swap3A_75 = vector.shape_cast %swap3A_74 : vector<1x16xf32> to vector<16xf32>
      %swap3A_76 = vector.shape_cast %broadcast_in_dim3A_71 : vector<16xf32> to vector<1x16xf32>
      tpu.vector_store %arg8[%swap3A_72, %swap3A_73], %swap3A_76 {strides = array<i32>} : memref<128x128xf32, #tpu.memory_space<vmem>>, vector<1x16xf32>,
    }
    %scan3A_6 = arith.constant 128 : i32
    %scan3A_7 = arith.constant 0 : i32
    %scan3A_8 = arith.constant 5 : i32
    %scan3A_9 = arith.addi %scan3A_7, %scan3A_8 : i32
    %scan3A_10 = arith.constant 1 : i32
    scf.for %scan3A_18 = %scan3A_7 to %scan3A_9 step %scan3A_10  : i32 {
      %mul3A_19 = arith.constant 1 : i32
      %mul3A_20 = arith.muli %scan3A_18, %mul3A_19 : i32
      %add3A_21 = arith.constant 0 : i32
      %add3A_22 = arith.addi %add3A_21, %mul3A_20 : i32
      %mul3A_23 = arith.constant 640 : i32
      %mul3A_24 = arith.muli %arg1, %mul3A_23 : i32
      %mul3A_25 = arith.constant 128 : i32
      %mul3A_26 = arith.muli %add3A_22, %mul3A_25 : i32
      %add3A_27 = arith.addi %mul3A_24, %mul3A_26 : i32
      "tpu.region"() ({
        %run_scoped3A = tpu.sem_alloc : memref<!tpu.dma_semaphore, #tpu.memory_space<semaphore_mem>>
        %dma_start3A = arith.constant 0 : i32
        %dma_start3A_28 = tpu.memref_slice %arg9[%add3A_27, %dma_start3A] : memref<10240x128xf32, #tpu.memory_space<vmem_shared>> -> memref<128x128xf32, #tpu.memory_space<vmem_shared>>
        %dma_start3A_29 = arith.constant 0 : i32
        %dma_start3A_30 = tpu.memref_slice %arg9[%add3A_27, %dma_start3A_29] : memref<10240x128xf32, #tpu.memory_space<vmem_shared>> -> memref<128x128xf32, #tpu.memory_space<vmem_shared>>
        tpu.enqueue_dma source(%arg8 : memref<128x128xf32, #tpu.memory_space<vmem>>) target(%dma_start3A_30 : memref<128x128xf32, #tpu.memory_space<vmem_shared>>) target_semaphore(%run_scoped3A : memref<!tpu.dma_semaphore, #tpu.memory_space<semaphore_mem>>)
        %dma_wait3A = arith.constant 0 : i32
        %dma_wait3A_31 = tpu.memref_slice %arg9[%add3A_27, %dma_wait3A] : memref<10240x128xf32, #tpu.memory_space<vmem_shared>> -> memref<128x128xf32, #tpu.memory_space<vmem_shared>>
        %dma_wait3A_32 = arith.constant 0 : i32
        %dma_wait3A_33 = tpu.memref_slice %arg9[%add3A_27, %dma_wait3A_32] : memref<10240x128xf32, #tpu.memory_space<vmem_shared>> -> memref<128x128xf32, #tpu.memory_space<vmem_shared>>
        tpu.wait_dma2 semaphore(%run_scoped3A : memref<!tpu.dma_semaphore, #tpu.memory_space<semaphore_mem>>) src(%arg8 : memref<128x128xf32, #tpu.memory_space<vmem>>) dst(%dma_wait3A_33 : memref<128x128xf32, #tpu.memory_space<vmem_shared>>)
        tpu.yield
      }) : () -> ()
    }
    %scan3A_11 = arith.constant 5 : i32
    %barrier3A = arith.constant 0 : index
    tpu.barrier barrier_id(%barrier3A)
    %scan3A_12 = arith.constant 0 : i32
    %scan3A_13 = arith.constant 79 : i32
    %scan3A_14 = arith.addi %scan3A_12, %scan3A_13 : i32
    %scan3A_15 = arith.constant 1 : i32
    scf.for %scan3A_18 = %scan3A_12 to %scan3A_14 step %scan3A_15  : i32 {
      %mul3A_19 = arith.constant 1 : i32
      %mul3A_20 = arith.muli %scan3A_18, %mul3A_19 : i32
      %add3A_21 = arith.constant 0 : i32
      %add3A_22 = arith.addi %add3A_21, %mul3A_20 : i32
      "tpu.region"() ({
        %run_scoped3A = tpu.sem_alloc : memref<!tpu.dma_semaphore, #tpu.memory_space<semaphore_mem>>
        %dma_start3A = arith.constant 0 : i32
        %dma_start3A_23 = tpu.memref_slice %arg6[%add3A_22, %dma_start3A] : memref<79x128xi32, #tpu.memory_space<vmem>> -> memref<1x128xi32, #tpu.memory_space<vmem>>
        %dma_start3A_24 = tpu.memref_squeeze %dma_start3A_23 : memref<1x128xi32, #tpu.memory_space<vmem>> -> memref<128xi32, #tpu.memory_space<vmem>>
        %dma_start3A_25 = arith.constant 0 : i32
        %dma_start3A_26 = arith.constant 0 : i32
        %dma_start3A_27 = tpu.memref_slice %arg2[%dma_start3A_25, %dma_start3A_26] : memref<10240x128xf32, #tpu.memory_space<hbm>> -> memref<10240x128xf32, #tpu.memory_space<hbm>>
        tpu.enqueue_indirect_dma source(%dma_start3A_27 : memref<10240x128xf32, #tpu.memory_space<hbm>>) target(%arg8 : memref<128x128xf32, #tpu.memory_space<vmem>>) offsets(%dma_start3A_24 : memref<128xi32, #tpu.memory_space<vmem>>) semaphore(%run_scoped3A : memref<!tpu.dma_semaphore, #tpu.memory_space<semaphore_mem>>)
        %dma_wait3A = arith.constant 0 : i32
        %dma_wait3A_28 = tpu.memref_slice %arg6[%add3A_22, %dma_wait3A] : memref<79x128xi32, #tpu.memory_space<vmem>> -> memref<1x128xi32, #tpu.memory_space<vmem>>
        %dma_wait3A_29 = tpu.memref_squeeze %dma_wait3A_28 : memref<1x128xi32, #tpu.memory_space<vmem>> -> memref<128xi32, #tpu.memory_space<vmem>>
        %dma_wait3A_30 = arith.constant 0 : i32
        %dma_wait3A_31 = arith.constant 0 : i32
        %dma_wait3A_32 = tpu.memref_slice %arg2[%dma_wait3A_30, %dma_wait3A_31] : memref<10240x128xf32, #tpu.memory_space<hbm>> -> memref<10240x128xf32, #tpu.memory_space<hbm>>
        tpu.wait_indirect_dma semaphore(%run_scoped3A : memref<!tpu.dma_semaphore, #tpu.memory_space<semaphore_mem>>) src(%dma_wait3A_32 : memref<10240x128xf32, #tpu.memory_space<hbm>>) dst(%arg8 : memref<128x128xf32, #tpu.memory_space<vmem>>)
        tpu.yield
      }) : () -> ()
      "tpu.region"() ({
        %run_scoped3A = tpu.sem_alloc : memref<!tpu.dma_semaphore, #tpu.memory_space<semaphore_mem>>
        %dma_start3A = arith.constant 0 : i32
        %dma_start3A_23 = tpu.memref_slice %arg7[%add3A_22, %dma_start3A] : memref<79x128xi32, #tpu.memory_space<vmem>> -> memref<1x128xi32, #tpu.memory_space<vmem>>
        %dma_start3A_24 = tpu.memref_squeeze %dma_start3A_23 : memref<1x128xi32, #tpu.memory_space<vmem>> -> memref<128xi32, #tpu.memory_space<vmem>>
        %dma_start3A_25 = arith.constant 0 : i32
        %dma_start3A_26 = arith.constant 0 : i32
        %dma_start3A_27 = tpu.memref_slice %arg9[%dma_start3A_25, %dma_start3A_26] : memref<10240x128xf32, #tpu.memory_space<vmem_shared>> -> memref<10240x128xf32, #tpu.memory_space<vmem_shared>>
        tpu.enqueue_indirect_dma source(%arg8 : memref<128x128xf32, #tpu.memory_space<vmem>>) target(%dma_start3A_27 : memref<10240x128xf32, #tpu.memory_space<vmem_shared>>) offsets(%dma_start3A_24 : memref<128xi32, #tpu.memory_space<vmem>>) semaphore(%run_scoped3A : memref<!tpu.dma_semaphore, #tpu.memory_space<semaphore_mem>>) {add = true}
        %dma_wait3A = arith.constant 0 : i32
        %dma_wait3A_28 = tpu.memref_slice %arg7[%add3A_22, %dma_wait3A] : memref<79x128xi32, #tpu.memory_space<vmem>> -> memref<1x128xi32, #tpu.memory_space<vmem>>
        %dma_wait3A_29 = tpu.memref_squeeze %dma_wait3A_28 : memref<1x128xi32, #tpu.memory_space<vmem>> -> memref<128xi32, #tpu.memory_space<vmem>>
        %dma_wait3A_30 = arith.constant 0 : i32
        %dma_wait3A_31 = arith.constant 0 : i32
        %dma_wait3A_32 = tpu.memref_slice %arg9[%dma_wait3A_30, %dma_wait3A_31] : memref<10240x128xf32, #tpu.memory_space<vmem_shared>> -> memref<10240x128xf32, #tpu.memory_space<vmem_shared>>
        tpu.wait_indirect_dma semaphore(%run_scoped3A : memref<!tpu.dma_semaphore, #tpu.memory_space<semaphore_mem>>) src(%arg8 : memref<128x128xf32, #tpu.memory_space<vmem>>) dst(%dma_wait3A_32 : memref<10240x128xf32, #tpu.memory_space<vmem_shared>>)
        tpu.yield
      }) : () -> ()
    }
    %scan3A_16 = arith.constant 79 : i32
    %barrier3A_17 = arith.constant 0 : index
    tpu.barrier barrier_id(%barrier3A_17)
    "tpu.region"() ({
      %run_scoped3A = tpu.sem_alloc : memref<!tpu.dma_semaphore, #tpu.memory_space<semaphore_mem>>
      %dma_start3A = arith.constant 0 : i32
      %dma_start3A_18 = tpu.memref_slice %arg5[%arg0, %mul3A_2, %dma_start3A] : memref<2x10240x128xf32, #tpu.memory_space<hbm>> -> memref<1x640x128xf32, #tpu.memory_space<hbm>>
      %dma_start3A_19 = tpu.memref_squeeze %dma_start3A_18 : memref<1x640x128xf32, #tpu.memory_space<hbm>> -> memref<640x128xf32, #tpu.memory_space<hbm>>
      %dma_start3A_20 = arith.constant 0 : i32
      %dma_start3A_21 = tpu.memref_slice %arg9[%mul3A_2, %dma_start3A_20] : memref<10240x128xf32, #tpu.memory_space<vmem_shared>> -> memref<640x128xf32, #tpu.memory_space<vmem_shared>>
      tpu.enqueue_dma source(%dma_start3A_21 : memref<640x128xf32, #tpu.memory_space<vmem_shared>>) target(%dma_start3A_19 : memref<640x128xf32, #tpu.memory_space<hbm>>) target_semaphore(%run_scoped3A : memref<!tpu.dma_semaphore, #tpu.memory_space<semaphore_mem>>)
      %dma_wait3A = arith.constant 0 : i32
      %dma_wait3A_22 = tpu.memref_slice %arg5[%arg0, %mul3A_2, %dma_wait3A] : memref<2x10240x128xf32, #tpu.memory_space<hbm>> -> memref<1x640x128xf32, #tpu.memory_space<hbm>>
      %dma_wait3A_23 = tpu.memref_squeeze %dma_wait3A_22 : memref<1x640x128xf32, #tpu.memory_space<hbm>> -> memref<640x128xf32, #tpu.memory_space<hbm>>
      %dma_wait3A_24 = arith.constant 0 : i32
      %dma_wait3A_25 = tpu.memref_slice %arg9[%mul3A_2, %dma_wait3A_24] : memref<10240x128xf32, #tpu.memory_space<vmem_shared>> -> memref<640x128xf32, #tpu.memory_space<vmem_shared>>
      tpu.wait_dma2 semaphore(%run_scoped3A : memref<!tpu.dma_semaphore, #tpu.memory_space<semaphore_mem>>) src(%dma_wait3A_25 : memref<640x128xf32, #tpu.memory_space<vmem_shared>>) dst(%dma_wait3A_23 : memref<640x128xf32, #tpu.memory_space<hbm>>)
      tpu.yield
    }) : () -> ()
    return
  }
}

#map = affine_map<(d0, d1) -> (0, 0)>
#map1 = affine_map<(d0, d1) -> (0, 0, 0)>
module attributes {stable_mosaic.version = 14 : i64} {
  func.func @_seg_body(%arg0: i32, %arg1: i32, %arg2: memref<10240x128xf32, #tpu.memory_space<hbm>>, %arg3: memref<32x79x128xi32, #tpu.memory_space<hbm>>, %arg4: memref<32x79x128xi32, #tpu.memory_space<hbm>>, %arg5: memref<2x10240x128xf32, #tpu.memory_space<hbm>>, %arg6: memref<79x128xi32, #tpu.memory_space<vmem>>, %arg7: memref<79x128xi32, #tpu.memory_space<vmem>>, %arg8: memref<128x128xf32, #tpu.memory_space<vmem>>, %arg9: memref<10240x128xf32, #tpu.memory_space<vmem_shared>>) attributes {dimension_semantics = [#tpu.dimension_semantics<core_parallel>, #tpu.dimension_semantics<subcore_parallel>], iteration_bounds = array<i64: 2, 16>, scalar_prefetch = 0 : i64, scratch_operands = 4 : i64, tpu.core_type = #tpu.core_type<sc_vector_subcore>, window_params = [{transform_indices = #map}, {transform_indices = #map1}, {transform_indices = #map1}, {transform_indices = #map1}]} {
    %mul3A = arith.constant 2 : i32
    %mul3A_0 = arith.muli %arg1, %mul3A : i32
    %add3A = arith.addi %mul3A_0, %arg0 : i32
    "tpu.region"() ({
      %run_scoped3A = tpu.sem_alloc : memref<!tpu.dma_semaphore, #tpu.memory_space<semaphore_mem>>
      %dma_start3A = arith.constant 0 : i32
      %dma_start3A_18 = arith.constant 0 : i32
      %dma_start3A_19 = tpu.memref_slice %arg3[%add3A, %dma_start3A, %dma_start3A_18] : memref<32x79x128xi32, #tpu.memory_space<hbm>> -> memref<1x79x128xi32, #tpu.memory_space<hbm>>
      %dma_start3A_20 = tpu.memref_squeeze %dma_start3A_19 : memref<1x79x128xi32, #tpu.memory_space<hbm>> -> memref<79x128xi32, #tpu.memory_space<hbm>>
      %dma_start3A_21 = arith.constant 0 : i32
      %dma_start3A_22 = arith.constant 0 : i32
      %dma_start3A_23 = tpu.memref_slice %arg3[%add3A, %dma_start3A_21, %dma_start3A_22] : memref<32x79x128xi32, #tpu.memory_space<hbm>> -> memref<1x79x128xi32, #tpu.memory_space<hbm>>
      %dma_start3A_24 = tpu.memref_squeeze %dma_start3A_23 : memref<1x79x128xi32, #tpu.memory_space<hbm>> -> memref<79x128xi32, #tpu.memory_space<hbm>>
      tpu.enqueue_dma source(%dma_start3A_24 : memref<79x128xi32, #tpu.memory_space<hbm>>) target(%arg6 : memref<79x128xi32, #tpu.memory_space<vmem>>) target_semaphore(%run_scoped3A : memref<!tpu.dma_semaphore, #tpu.memory_space<semaphore_mem>>)
      %dma_wait3A = arith.constant 0 : i32
      %dma_wait3A_25 = arith.constant 0 : i32
      %dma_wait3A_26 = tpu.memref_slice %arg3[%add3A, %dma_wait3A, %dma_wait3A_25] : memref<32x79x128xi32, #tpu.memory_space<hbm>> -> memref<1x79x128xi32, #tpu.memory_space<hbm>>
      %dma_wait3A_27 = tpu.memref_squeeze %dma_wait3A_26 : memref<1x79x128xi32, #tpu.memory_space<hbm>> -> memref<79x128xi32, #tpu.memory_space<hbm>>
      %dma_wait3A_28 = arith.constant 0 : i32
      %dma_wait3A_29 = arith.constant 0 : i32
      %dma_wait3A_30 = tpu.memref_slice %arg3[%add3A, %dma_wait3A_28, %dma_wait3A_29] : memref<32x79x128xi32, #tpu.memory_space<hbm>> -> memref<1x79x128xi32, #tpu.memory_space<hbm>>
      %dma_wait3A_31 = tpu.memref_squeeze %dma_wait3A_30 : memref<1x79x128xi32, #tpu.memory_space<hbm>> -> memref<79x128xi32, #tpu.memory_space<hbm>>
      tpu.wait_dma2 semaphore(%run_scoped3A : memref<!tpu.dma_semaphore, #tpu.memory_space<semaphore_mem>>) src(%dma_wait3A_31 : memref<79x128xi32, #tpu.memory_space<hbm>>) dst(%arg6 : memref<79x128xi32, #tpu.memory_space<vmem>>)
      tpu.yield
    }) : () -> ()
    "tpu.region"() ({
      %run_scoped3A = tpu.sem_alloc : memref<!tpu.dma_semaphore, #tpu.memory_space<semaphore_mem>>
      %dma_start3A = arith.constant 0 : i32
      %dma_start3A_18 = arith.constant 0 : i32
      %dma_start3A_19 = tpu.memref_slice %arg4[%add3A, %dma_start3A, %dma_start3A_18] : memref<32x79x128xi32, #tpu.memory_space<hbm>> -> memref<1x79x128xi32, #tpu.memory_space<hbm>>
      %dma_start3A_20 = tpu.memref_squeeze %dma_start3A_19 : memref<1x79x128xi32, #tpu.memory_space<hbm>> -> memref<79x128xi32, #tpu.memory_space<hbm>>
      %dma_start3A_21 = arith.constant 0 : i32
      %dma_start3A_22 = arith.constant 0 : i32
      %dma_start3A_23 = tpu.memref_slice %arg4[%add3A, %dma_start3A_21, %dma_start3A_22] : memref<32x79x128xi32, #tpu.memory_space<hbm>> -> memref<1x79x128xi32, #tpu.memory_space<hbm>>
      %dma_start3A_24 = tpu.memref_squeeze %dma_start3A_23 : memref<1x79x128xi32, #tpu.memory_space<hbm>> -> memref<79x128xi32, #tpu.memory_space<hbm>>
      tpu.enqueue_dma source(%dma_start3A_24 : memref<79x128xi32, #tpu.memory_space<hbm>>) target(%arg7 : memref<79x128xi32, #tpu.memory_space<vmem>>) target_semaphore(%run_scoped3A : memref<!tpu.dma_semaphore, #tpu.memory_space<semaphore_mem>>)
      %dma_wait3A = arith.constant 0 : i32
      %dma_wait3A_25 = arith.constant 0 : i32
      %dma_wait3A_26 = tpu.memref_slice %arg4[%add3A, %dma_wait3A, %dma_wait3A_25] : memref<32x79x128xi32, #tpu.memory_space<hbm>> -> memref<1x79x128xi32, #tpu.memory_space<hbm>>
      %dma_wait3A_27 = tpu.memref_squeeze %dma_wait3A_26 : memref<1x79x128xi32, #tpu.memory_space<hbm>> -> memref<79x128xi32, #tpu.memory_space<hbm>>
      %dma_wait3A_28 = arith.constant 0 : i32
      %dma_wait3A_29 = arith.constant 0 : i32
      %dma_wait3A_30 = tpu.memref_slice %arg4[%add3A, %dma_wait3A_28, %dma_wait3A_29] : memref<32x79x128xi32, #tpu.memory_space<hbm>> -> memref<1x79x128xi32, #tpu.memory_space<hbm>>
      %dma_wait3A_31 = tpu.memref_squeeze %dma_wait3A_30 : memref<1x79x128xi32, #tpu.memory_space<hbm>> -> memref<79x128xi32, #tpu.memory_space<hbm>>
      tpu.wait_dma2 semaphore(%run_scoped3A : memref<!tpu.dma_semaphore, #tpu.memory_space<semaphore_mem>>) src(%dma_wait3A_31 : memref<79x128xi32, #tpu.memory_space<hbm>>) dst(%arg7 : memref<79x128xi32, #tpu.memory_space<vmem>>)
      tpu.yield
    }) : () -> ()
    %mul3A_1 = arith.constant 640 : i32
    %mul3A_2 = arith.muli %arg1, %mul3A_1 : i32
    %scan3A = arith.constant 0 : i32
    %scan3A_3 = arith.constant 128 : i32
    %scan3A_4 = arith.addi %scan3A, %scan3A_3 : i32
    %scan3A_5 = arith.constant 1 : i32
    scf.for %scan3A_18 = %scan3A to %scan3A_4 step %scan3A_5  : i32 {
      %mul3A_19 = arith.constant 1 : i32
      %mul3A_20 = arith.muli %scan3A_18, %mul3A_19 : i32
      %add3A_21 = arith.constant 0 : i32
      %add3A_22 = arith.addi %add3A_21, %mul3A_20 : i32
      %broadcast_in_dim3A = arith.constant 0.000000e+00 : f32
      %broadcast_in_dim3A_23 = vector.broadcast %broadcast_in_dim3A : f32 to vector<16xf32>
      %swap3A = arith.index_cast %add3A_22 : i32 to index
      %swap3A_24 = arith.constant 0 : index
      %swap3A_25 = tpu.vector_load %arg8[%swap3A, %swap3A_24] {strides = array<i32>} : memref<128x128xf32, #tpu.memory_space<vmem>>, vector<1x16xf32>,
      %swap3A_26 = vector.shape_cast %swap3A_25 : vector<1x16xf32> to vector<16xf32>
      %swap3A_27 = vector.shape_cast %broadcast_in_dim3A_23 : vector<16xf32> to vector<1x16xf32>
      tpu.vector_store %arg8[%swap3A, %swap3A_24], %swap3A_27 {strides = array<i32>} : memref<128x128xf32, #tpu.memory_space<vmem>>, vector<1x16xf32>,
      %broadcast_in_dim3A_28 = arith.constant 0.000000e+00 : f32
      %broadcast_in_dim3A_29 = vector.broadcast %broadcast_in_dim3A_28 : f32 to vector<16xf32>
      %swap3A_30 = arith.index_cast %add3A_22 : i32 to index
      %swap3A_31 = arith.constant 16 : index
      %swap3A_32 = tpu.vector_load %arg8[%swap3A_30, %swap3A_31] {strides = array<i32>} : memref<128x128xf32, #tpu.memory_space<vmem>>, vector<1x16xf32>,
      %swap3A_33 = vector.shape_cast %swap3A_32 : vector<1x16xf32> to vector<16xf32>
      %swap3A_34 = vector.shape_cast %broadcast_in_dim3A_29 : vector<16xf32> to vector<1x16xf32>
      tpu.vector_store %arg8[%swap3A_30, %swap3A_31], %swap3A_34 {strides = array<i32>} : memref<128x128xf32, #tpu.memory_space<vmem>>, vector<1x16xf32>,
      %broadcast_in_dim3A_35 = arith.constant 0.000000e+00 : f32
      %broadcast_in_dim3A_36 = vector.broadcast %broadcast_in_dim3A_35 : f32 to vector<16xf32>
      %swap3A_37 = arith.index_cast %add3A_22 : i32 to index
      %swap3A_38 = arith.constant 32 : index
      %swap3A_39 = tpu.vector_load %arg8[%swap3A_37, %swap3A_38] {strides = array<i32>} : memref<128x128xf32, #tpu.memory_space<vmem>>, vector<1x16xf32>,
      %swap3A_40 = vector.shape_cast %swap3A_39 : vector<1x16xf32> to vector<16xf32>
      %swap3A_41 = vector.shape_cast %broadcast_in_dim3A_36 : vector<16xf32> to vector<1x16xf32>
      tpu.vector_store %arg8[%swap3A_37, %swap3A_38], %swap3A_41 {strides = array<i32>} : memref<128x128xf32, #tpu.memory_space<vmem>>, vector<1x16xf32>,
      %broadcast_in_dim3A_42 = arith.constant 0.000000e+00 : f32
      %broadcast_in_dim3A_43 = vector.broadcast %broadcast_in_dim3A_42 : f32 to vector<16xf32>
      %swap3A_44 = arith.index_cast %add3A_22 : i32 to index
      %swap3A_45 = arith.constant 48 : index
      %swap3A_46 = tpu.vector_load %arg8[%swap3A_44, %swap3A_45] {strides = array<i32>} : memref<128x128xf32, #tpu.memory_space<vmem>>, vector<1x16xf32>,
      %swap3A_47 = vector.shape_cast %swap3A_46 : vector<1x16xf32> to vector<16xf32>
      %swap3A_48 = vector.shape_cast %broadcast_in_dim3A_43 : vector<16xf32> to vector<1x16xf32>
      tpu.vector_store %arg8[%swap3A_44, %swap3A_45], %swap3A_48 {strides = array<i32>} : memref<128x128xf32, #tpu.memory_space<vmem>>, vector<1x16xf32>,
      %broadcast_in_dim3A_49 = arith.constant 0.000000e+00 : f32
      %broadcast_in_dim3A_50 = vector.broadcast %broadcast_in_dim3A_49 : f32 to vector<16xf32>
      %swap3A_51 = arith.index_cast %add3A_22 : i32 to index
      %swap3A_52 = arith.constant 64 : index
      %swap3A_53 = tpu.vector_load %arg8[%swap3A_51, %swap3A_52] {strides = array<i32>} : memref<128x128xf32, #tpu.memory_space<vmem>>, vector<1x16xf32>,
      %swap3A_54 = vector.shape_cast %swap3A_53 : vector<1x16xf32> to vector<16xf32>
      %swap3A_55 = vector.shape_cast %broadcast_in_dim3A_50 : vector<16xf32> to vector<1x16xf32>
      tpu.vector_store %arg8[%swap3A_51, %swap3A_52], %swap3A_55 {strides = array<i32>} : memref<128x128xf32, #tpu.memory_space<vmem>>, vector<1x16xf32>,
      %broadcast_in_dim3A_56 = arith.constant 0.000000e+00 : f32
      %broadcast_in_dim3A_57 = vector.broadcast %broadcast_in_dim3A_56 : f32 to vector<16xf32>
      %swap3A_58 = arith.index_cast %add3A_22 : i32 to index
      %swap3A_59 = arith.constant 80 : index
      %swap3A_60 = tpu.vector_load %arg8[%swap3A_58, %swap3A_59] {strides = array<i32>} : memref<128x128xf32, #tpu.memory_space<vmem>>, vector<1x16xf32>,
      %swap3A_61 = vector.shape_cast %swap3A_60 : vector<1x16xf32> to vector<16xf32>
      %swap3A_62 = vector.shape_cast %broadcast_in_dim3A_57 : vector<16xf32> to vector<1x16xf32>
      tpu.vector_store %arg8[%swap3A_58, %swap3A_59], %swap3A_62 {strides = array<i32>} : memref<128x128xf32, #tpu.memory_space<vmem>>, vector<1x16xf32>,
      %broadcast_in_dim3A_63 = arith.constant 0.000000e+00 : f32
      %broadcast_in_dim3A_64 = vector.broadcast %broadcast_in_dim3A_63 : f32 to vector<16xf32>
      %swap3A_65 = arith.index_cast %add3A_22 : i32 to index
      %swap3A_66 = arith.constant 96 : index
      %swap3A_67 = tpu.vector_load %arg8[%swap3A_65, %swap3A_66] {strides = array<i32>} : memref<128x128xf32, #tpu.memory_space<vmem>>, vector<1x16xf32>,
      %swap3A_68 = vector.shape_cast %swap3A_67 : vector<1x16xf32> to vector<16xf32>
      %swap3A_69 = vector.shape_cast %broadcast_in_dim3A_64 : vector<16xf32> to vector<1x16xf32>
      tpu.vector_store %arg8[%swap3A_65, %swap3A_66], %swap3A_69 {strides = array<i32>} : memref<128x128xf32, #tpu.memory_space<vmem>>, vector<1x16xf32>,
      %broadcast_in_dim3A_70 = arith.constant 0.000000e+00 : f32
      %broadcast_in_dim3A_71 = vector.broadcast %broadcast_in_dim3A_70 : f32 to vector<16xf32>
      %swap3A_72 = arith.index_cast %add3A_22 : i32 to index
      %swap3A_73 = arith.constant 112 : index
      %swap3A_74 = tpu.vector_load %arg8[%swap3A_72, %swap3A_73] {strides = array<i32>} : memref<128x128xf32, #tpu.memory_space<vmem>>, vector<1x16xf32>,
      %swap3A_75 = vector.shape_cast %swap3A_74 : vector<1x16xf32> to vector<16xf32>
      %swap3A_76 = vector.shape_cast %broadcast_in_dim3A_71 : vector<16xf32> to vector<1x16xf32>
      tpu.vector_store %arg8[%swap3A_72, %swap3A_73], %swap3A_76 {strides = array<i32>} : memref<128x128xf32, #tpu.memory_space<vmem>>, vector<1x16xf32>,
    }
    %scan3A_6 = arith.constant 128 : i32
    %scan3A_7 = arith.constant 0 : i32
    %scan3A_8 = arith.constant 5 : i32
    %scan3A_9 = arith.addi %scan3A_7, %scan3A_8 : i32
    %scan3A_10 = arith.constant 1 : i32
    scf.for %scan3A_18 = %scan3A_7 to %scan3A_9 step %scan3A_10  : i32 {
      %mul3A_19 = arith.constant 1 : i32
      %mul3A_20 = arith.muli %scan3A_18, %mul3A_19 : i32
      %add3A_21 = arith.constant 0 : i32
      %add3A_22 = arith.addi %add3A_21, %mul3A_20 : i32
      %mul3A_23 = arith.constant 640 : i32
      %mul3A_24 = arith.muli %arg1, %mul3A_23 : i32
      %mul3A_25 = arith.constant 128 : i32
      %mul3A_26 = arith.muli %add3A_22, %mul3A_25 : i32
      %add3A_27 = arith.addi %mul3A_24, %mul3A_26 : i32
      "tpu.region"() ({
        %run_scoped3A = tpu.sem_alloc : memref<!tpu.dma_semaphore, #tpu.memory_space<semaphore_mem>>
        %dma_start3A = arith.constant 0 : i32
        %dma_start3A_28 = tpu.memref_slice %arg9[%add3A_27, %dma_start3A] : memref<10240x128xf32, #tpu.memory_space<vmem_shared>> -> memref<128x128xf32, #tpu.memory_space<vmem_shared>>
        %dma_start3A_29 = arith.constant 0 : i32
        %dma_start3A_30 = tpu.memref_slice %arg9[%add3A_27, %dma_start3A_29] : memref<10240x128xf32, #tpu.memory_space<vmem_shared>> -> memref<128x128xf32, #tpu.memory_space<vmem_shared>>
        tpu.enqueue_dma source(%arg8 : memref<128x128xf32, #tpu.memory_space<vmem>>) target(%dma_start3A_30 : memref<128x128xf32, #tpu.memory_space<vmem_shared>>) target_semaphore(%run_scoped3A : memref<!tpu.dma_semaphore, #tpu.memory_space<semaphore_mem>>)
        %dma_wait3A = arith.constant 0 : i32
        %dma_wait3A_31 = tpu.memref_slice %arg9[%add3A_27, %dma_wait3A] : memref<10240x128xf32, #tpu.memory_space<vmem_shared>> -> memref<128x128xf32, #tpu.memory_space<vmem_shared>>
        %dma_wait3A_32 = arith.constant 0 : i32
        %dma_wait3A_33 = tpu.memref_slice %arg9[%add3A_27, %dma_wait3A_32] : memref<10240x128xf32, #tpu.memory_space<vmem_shared>> -> memref<128x128xf32, #tpu.memory_space<vmem_shared>>
        tpu.wait_dma2 semaphore(%run_scoped3A : memref<!tpu.dma_semaphore, #tpu.memory_space<semaphore_mem>>) src(%arg8 : memref<128x128xf32, #tpu.memory_space<vmem>>) dst(%dma_wait3A_33 : memref<128x128xf32, #tpu.memory_space<vmem_shared>>)
        tpu.yield
      }) : () -> ()
    }
    %scan3A_11 = arith.constant 5 : i32
    %barrier3A = arith.constant 0 : index
    tpu.barrier barrier_id(%barrier3A)
    %scan3A_12 = arith.constant 0 : i32
    %scan3A_13 = arith.constant 79 : i32
    %scan3A_14 = arith.addi %scan3A_12, %scan3A_13 : i32
    %scan3A_15 = arith.constant 1 : i32
    scf.for %scan3A_18 = %scan3A_12 to %scan3A_14 step %scan3A_15  : i32 {
      %mul3A_19 = arith.constant 1 : i32
      %mul3A_20 = arith.muli %scan3A_18, %mul3A_19 : i32
      %add3A_21 = arith.constant 0 : i32
      %add3A_22 = arith.addi %add3A_21, %mul3A_20 : i32
      "tpu.region"() ({
        %run_scoped3A = tpu.sem_alloc : memref<!tpu.dma_semaphore, #tpu.memory_space<semaphore_mem>>
        %dma_start3A = arith.constant 0 : i32
        %dma_start3A_23 = tpu.memref_slice %arg6[%add3A_22, %dma_start3A] : memref<79x128xi32, #tpu.memory_space<vmem>> -> memref<1x128xi32, #tpu.memory_space<vmem>>
        %dma_start3A_24 = tpu.memref_squeeze %dma_start3A_23 : memref<1x128xi32, #tpu.memory_space<vmem>> -> memref<128xi32, #tpu.memory_space<vmem>>
        %dma_start3A_25 = arith.constant 0 : i32
        %dma_start3A_26 = arith.constant 0 : i32
        %dma_start3A_27 = tpu.memref_slice %arg2[%dma_start3A_25, %dma_start3A_26] : memref<10240x128xf32, #tpu.memory_space<hbm>> -> memref<10240x128xf32, #tpu.memory_space<hbm>>
        tpu.enqueue_indirect_dma source(%dma_start3A_27 : memref<10240x128xf32, #tpu.memory_space<hbm>>) target(%arg8 : memref<128x128xf32, #tpu.memory_space<vmem>>) offsets(%dma_start3A_24 : memref<128xi32, #tpu.memory_space<vmem>>) semaphore(%run_scoped3A : memref<!tpu.dma_semaphore, #tpu.memory_space<semaphore_mem>>)
        %dma_wait3A = arith.constant 0 : i32
        %dma_wait3A_28 = tpu.memref_slice %arg6[%add3A_22, %dma_wait3A] : memref<79x128xi32, #tpu.memory_space<vmem>> -> memref<1x128xi32, #tpu.memory_space<vmem>>
        %dma_wait3A_29 = tpu.memref_squeeze %dma_wait3A_28 : memref<1x128xi32, #tpu.memory_space<vmem>> -> memref<128xi32, #tpu.memory_space<vmem>>
        %dma_wait3A_30 = arith.constant 0 : i32
        %dma_wait3A_31 = arith.constant 0 : i32
        %dma_wait3A_32 = tpu.memref_slice %arg2[%dma_wait3A_30, %dma_wait3A_31] : memref<10240x128xf32, #tpu.memory_space<hbm>> -> memref<10240x128xf32, #tpu.memory_space<hbm>>
        tpu.wait_indirect_dma semaphore(%run_scoped3A : memref<!tpu.dma_semaphore, #tpu.memory_space<semaphore_mem>>) src(%dma_wait3A_32 : memref<10240x128xf32, #tpu.memory_space<hbm>>) dst(%arg8 : memref<128x128xf32, #tpu.memory_space<vmem>>)
        tpu.yield
      }) : () -> ()
      "tpu.region"() ({
        %run_scoped3A = tpu.sem_alloc : memref<!tpu.dma_semaphore, #tpu.memory_space<semaphore_mem>>
        %dma_start3A = arith.constant 0 : i32
        %dma_start3A_23 = tpu.memref_slice %arg7[%add3A_22, %dma_start3A] : memref<79x128xi32, #tpu.memory_space<vmem>> -> memref<1x128xi32, #tpu.memory_space<vmem>>
        %dma_start3A_24 = tpu.memref_squeeze %dma_start3A_23 : memref<1x128xi32, #tpu.memory_space<vmem>> -> memref<128xi32, #tpu.memory_space<vmem>>
        %dma_start3A_25 = arith.constant 0 : i32
        %dma_start3A_26 = arith.constant 0 : i32
        %dma_start3A_27 = tpu.memref_slice %arg9[%dma_start3A_25, %dma_start3A_26] : memref<10240x128xf32, #tpu.memory_space<vmem_shared>> -> memref<10240x128xf32, #tpu.memory_space<vmem_shared>>
        tpu.enqueue_indirect_dma source(%arg8 : memref<128x128xf32, #tpu.memory_space<vmem>>) target(%dma_start3A_27 : memref<10240x128xf32, #tpu.memory_space<vmem_shared>>) offsets(%dma_start3A_24 : memref<128xi32, #tpu.memory_space<vmem>>) semaphore(%run_scoped3A : memref<!tpu.dma_semaphore, #tpu.memory_space<semaphore_mem>>) {add = true}
        %dma_wait3A = arith.constant 0 : i32
        %dma_wait3A_28 = tpu.memref_slice %arg7[%add3A_22, %dma_wait3A] : memref<79x128xi32, #tpu.memory_space<vmem>> -> memref<1x128xi32, #tpu.memory_space<vmem>>
        %dma_wait3A_29 = tpu.memref_squeeze %dma_wait3A_28 : memref<1x128xi32, #tpu.memory_space<vmem>> -> memref<128xi32, #tpu.memory_space<vmem>>
        %dma_wait3A_30 = arith.constant 0 : i32
        %dma_wait3A_31 = arith.constant 0 : i32
        %dma_wait3A_32 = tpu.memref_slice %arg9[%dma_wait3A_30, %dma_wait3A_31] : memref<10240x128xf32, #tpu.memory_space<vmem_shared>> -> memref<10240x128xf32, #tpu.memory_space<vmem_shared>>
        tpu.wait_indirect_dma semaphore(%run_scoped3A : memref<!tpu.dma_semaphore, #tpu.memory_space<semaphore_mem>>) src(%arg8 : memref<128x128xf32, #tpu.memory_space<vmem>>) dst(%dma_wait3A_32 : memref<10240x128xf32, #tpu.memory_space<vmem_shared>>)
        tpu.yield
      }) : () -> ()
    }
    %scan3A_16 = arith.constant 79 : i32
    %barrier3A_17 = arith.constant 0 : index
    tpu.barrier barrier_id(%barrier3A_17)
    "tpu.region"() ({
      %run_scoped3A = tpu.sem_alloc : memref<!tpu.dma_semaphore, #tpu.memory_space<semaphore_mem>>
      %dma_start3A = arith.constant 0 : i32
      %dma_start3A_18 = tpu.memref_slice %arg5[%arg0, %mul3A_2, %dma_start3A] : memref<2x10240x128xf32, #tpu.memory_space<hbm>> -> memref<1x640x128xf32, #tpu.memory_space<hbm>>
      %dma_start3A_19 = tpu.memref_squeeze %dma_start3A_18 : memref<1x640x128xf32, #tpu.memory_space<hbm>> -> memref<640x128xf32, #tpu.memory_space<hbm>>
      %dma_start3A_20 = arith.constant 0 : i32
      %dma_start3A_21 = tpu.memref_slice %arg9[%mul3A_2, %dma_start3A_20] : memref<10240x128xf32, #tpu.memory_space<vmem_shared>> -> memref<640x128xf32, #tpu.memory_space<vmem_shared>>
      tpu.enqueue_dma source(%dma_start3A_21 : memref<640x128xf32, #tpu.memory_space<vmem_shared>>) target(%dma_start3A_19 : memref<640x128xf32, #tpu.memory_space<hbm>>) target_semaphore(%run_scoped3A : memref<!tpu.dma_semaphore, #tpu.memory_space<semaphore_mem>>)
      %dma_wait3A = arith.constant 0 : i32
      %dma_wait3A_22 = tpu.memref_slice %arg5[%arg0, %mul3A_2, %dma_wait3A] : memref<2x10240x128xf32, #tpu.memory_space<hbm>> -> memref<1x640x128xf32, #tpu.memory_space<hbm>>
      %dma_wait3A_23 = tpu.memref_squeeze %dma_wait3A_22 : memref<1x640x128xf32, #tpu.memory_space<hbm>> -> memref<640x128xf32, #tpu.memory_space<hbm>>
      %dma_wait3A_24 = arith.constant 0 : i32
      %dma_wait3A_25 = tpu.memref_slice %arg9[%mul3A_2, %dma_wait3A_24] : memref<10240x128xf32, #tpu.memory_space<vmem_shared>> -> memref<640x128xf32, #tpu.memory_space<vmem_shared>>
      tpu.wait_dma2 semaphore(%run_scoped3A : memref<!tpu.dma_semaphore, #tpu.memory_space<semaphore_mem>>) src(%dma_wait3A_25 : memref<640x128xf32, #tpu.memory_space<vmem_shared>>) dst(%dma_wait3A_23 : memref<640x128xf32, #tpu.memory_space<hbm>>)
      tpu.yield
    }) : () -> ()
    return
  }
}

#map = affine_map<(d0, d1) -> (0, 0, 0)>
module attributes {stable_mosaic.version = 14 : i64} {
  func.func @_deg_body(%arg0: i32, %arg1: i32, %arg2: memref<32x79x128xi32, #tpu.memory_space<hbm>>, %arg3: memref<2x10240x128xf32, #tpu.memory_space<hbm>>, %arg4: memref<79x128xi32, #tpu.memory_space<vmem>>, %arg5: memref<128x128xf32, #tpu.memory_space<vmem>>, %arg6: memref<10240x128xf32, #tpu.memory_space<vmem_shared>>) attributes {dimension_semantics = [#tpu.dimension_semantics<core_parallel>, #tpu.dimension_semantics<subcore_parallel>], iteration_bounds = array<i64: 2, 16>, scalar_prefetch = 0 : i64, scratch_operands = 3 : i64, tpu.core_type = #tpu.core_type<sc_vector_subcore>, window_params = [{transform_indices = #map}, {transform_indices = #map}]} {
    %mul3A = arith.constant 2 : i32
    %mul3A_0 = arith.muli %arg1, %mul3A : i32
    %add3A = arith.addi %mul3A_0, %arg0 : i32
    "tpu.region"() ({
      %run_scoped3A = tpu.sem_alloc : memref<!tpu.dma_semaphore, #tpu.memory_space<semaphore_mem>>
      %dma_start3A = arith.constant 0 : i32
      %dma_start3A_23 = arith.constant 0 : i32
      %dma_start3A_24 = tpu.memref_slice %arg2[%add3A, %dma_start3A, %dma_start3A_23] : memref<32x79x128xi32, #tpu.memory_space<hbm>> -> memref<1x79x128xi32, #tpu.memory_space<hbm>>
      %dma_start3A_25 = tpu.memref_squeeze %dma_start3A_24 : memref<1x79x128xi32, #tpu.memory_space<hbm>> -> memref<79x128xi32, #tpu.memory_space<hbm>>
      %dma_start3A_26 = arith.constant 0 : i32
      %dma_start3A_27 = arith.constant 0 : i32
      %dma_start3A_28 = tpu.memref_slice %arg2[%add3A, %dma_start3A_26, %dma_start3A_27] : memref<32x79x128xi32, #tpu.memory_space<hbm>> -> memref<1x79x128xi32, #tpu.memory_space<hbm>>
      %dma_start3A_29 = tpu.memref_squeeze %dma_start3A_28 : memref<1x79x128xi32, #tpu.memory_space<hbm>> -> memref<79x128xi32, #tpu.memory_space<hbm>>
      tpu.enqueue_dma source(%dma_start3A_29 : memref<79x128xi32, #tpu.memory_space<hbm>>) target(%arg4 : memref<79x128xi32, #tpu.memory_space<vmem>>) target_semaphore(%run_scoped3A : memref<!tpu.dma_semaphore, #tpu.memory_space<semaphore_mem>>)
      %dma_wait3A = arith.constant 0 : i32
      %dma_wait3A_30 = arith.constant 0 : i32
      %dma_wait3A_31 = tpu.memref_slice %arg2[%add3A, %dma_wait3A, %dma_wait3A_30] : memref<32x79x128xi32, #tpu.memory_space<hbm>> -> memref<1x79x128xi32, #tpu.memory_space<hbm>>
      %dma_wait3A_32 = tpu.memref_squeeze %dma_wait3A_31 : memref<1x79x128xi32, #tpu.memory_space<hbm>> -> memref<79x128xi32, #tpu.memory_space<hbm>>
      %dma_wait3A_33 = arith.constant 0 : i32
      %dma_wait3A_34 = arith.constant 0 : i32
      %dma_wait3A_35 = tpu.memref_slice %arg2[%add3A, %dma_wait3A_33, %dma_wait3A_34] : memref<32x79x128xi32, #tpu.memory_space<hbm>> -> memref<1x79x128xi32, #tpu.memory_space<hbm>>
      %dma_wait3A_36 = tpu.memref_squeeze %dma_wait3A_35 : memref<1x79x128xi32, #tpu.memory_space<hbm>> -> memref<79x128xi32, #tpu.memory_space<hbm>>
      tpu.wait_dma2 semaphore(%run_scoped3A : memref<!tpu.dma_semaphore, #tpu.memory_space<semaphore_mem>>) src(%dma_wait3A_36 : memref<79x128xi32, #tpu.memory_space<hbm>>) dst(%arg4 : memref<79x128xi32, #tpu.memory_space<vmem>>)
      tpu.yield
    }) : () -> ()
    %mul3A_1 = arith.constant 640 : i32
    %mul3A_2 = arith.muli %arg1, %mul3A_1 : i32
    %scan3A = arith.constant 0 : i32
    %scan3A_3 = arith.constant 128 : i32
    %scan3A_4 = arith.addi %scan3A, %scan3A_3 : i32
    %scan3A_5 = arith.constant 1 : i32
    scf.for %scan3A_23 = %scan3A to %scan3A_4 step %scan3A_5  : i32 {
      %mul3A_24 = arith.constant 1 : i32
      %mul3A_25 = arith.muli %scan3A_23, %mul3A_24 : i32
      %add3A_26 = arith.constant 0 : i32
      %add3A_27 = arith.addi %add3A_26, %mul3A_25 : i32
      %broadcast_in_dim3A = arith.constant 0.000000e+00 : f32
      %broadcast_in_dim3A_28 = vector.broadcast %broadcast_in_dim3A : f32 to vector<16xf32>
      %swap3A = arith.index_cast %add3A_27 : i32 to index
      %swap3A_29 = arith.constant 0 : index
      %swap3A_30 = tpu.vector_load %arg5[%swap3A, %swap3A_29] {strides = array<i32>} : memref<128x128xf32, #tpu.memory_space<vmem>>, vector<1x16xf32>,
      %swap3A_31 = vector.shape_cast %swap3A_30 : vector<1x16xf32> to vector<16xf32>
      %swap3A_32 = vector.shape_cast %broadcast_in_dim3A_28 : vector<16xf32> to vector<1x16xf32>
      tpu.vector_store %arg5[%swap3A, %swap3A_29], %swap3A_32 {strides = array<i32>} : memref<128x128xf32, #tpu.memory_space<vmem>>, vector<1x16xf32>,
      %broadcast_in_dim3A_33 = arith.constant 0.000000e+00 : f32
      %broadcast_in_dim3A_34 = vector.broadcast %broadcast_in_dim3A_33 : f32 to vector<16xf32>
      %swap3A_35 = arith.index_cast %add3A_27 : i32 to index
      %swap3A_36 = arith.constant 16 : index
      %swap3A_37 = tpu.vector_load %arg5[%swap3A_35, %swap3A_36] {strides = array<i32>} : memref<128x128xf32, #tpu.memory_space<vmem>>, vector<1x16xf32>,
      %swap3A_38 = vector.shape_cast %swap3A_37 : vector<1x16xf32> to vector<16xf32>
      %swap3A_39 = vector.shape_cast %broadcast_in_dim3A_34 : vector<16xf32> to vector<1x16xf32>
      tpu.vector_store %arg5[%swap3A_35, %swap3A_36], %swap3A_39 {strides = array<i32>} : memref<128x128xf32, #tpu.memory_space<vmem>>, vector<1x16xf32>,
      %broadcast_in_dim3A_40 = arith.constant 0.000000e+00 : f32
      %broadcast_in_dim3A_41 = vector.broadcast %broadcast_in_dim3A_40 : f32 to vector<16xf32>
      %swap3A_42 = arith.index_cast %add3A_27 : i32 to index
      %swap3A_43 = arith.constant 32 : index
      %swap3A_44 = tpu.vector_load %arg5[%swap3A_42, %swap3A_43] {strides = array<i32>} : memref<128x128xf32, #tpu.memory_space<vmem>>, vector<1x16xf32>,
      %swap3A_45 = vector.shape_cast %swap3A_44 : vector<1x16xf32> to vector<16xf32>
      %swap3A_46 = vector.shape_cast %broadcast_in_dim3A_41 : vector<16xf32> to vector<1x16xf32>
      tpu.vector_store %arg5[%swap3A_42, %swap3A_43], %swap3A_46 {strides = array<i32>} : memref<128x128xf32, #tpu.memory_space<vmem>>, vector<1x16xf32>,
      %broadcast_in_dim3A_47 = arith.constant 0.000000e+00 : f32
      %broadcast_in_dim3A_48 = vector.broadcast %broadcast_in_dim3A_47 : f32 to vector<16xf32>
      %swap3A_49 = arith.index_cast %add3A_27 : i32 to index
      %swap3A_50 = arith.constant 48 : index
      %swap3A_51 = tpu.vector_load %arg5[%swap3A_49, %swap3A_50] {strides = array<i32>} : memref<128x128xf32, #tpu.memory_space<vmem>>, vector<1x16xf32>,
      %swap3A_52 = vector.shape_cast %swap3A_51 : vector<1x16xf32> to vector<16xf32>
      %swap3A_53 = vector.shape_cast %broadcast_in_dim3A_48 : vector<16xf32> to vector<1x16xf32>
      tpu.vector_store %arg5[%swap3A_49, %swap3A_50], %swap3A_53 {strides = array<i32>} : memref<128x128xf32, #tpu.memory_space<vmem>>, vector<1x16xf32>,
      %broadcast_in_dim3A_54 = arith.constant 0.000000e+00 : f32
      %broadcast_in_dim3A_55 = vector.broadcast %broadcast_in_dim3A_54 : f32 to vector<16xf32>
      %swap3A_56 = arith.index_cast %add3A_27 : i32 to index
      %swap3A_57 = arith.constant 64 : index
      %swap3A_58 = tpu.vector_load %arg5[%swap3A_56, %swap3A_57] {strides = array<i32>} : memref<128x128xf32, #tpu.memory_space<vmem>>, vector<1x16xf32>,
      %swap3A_59 = vector.shape_cast %swap3A_58 : vector<1x16xf32> to vector<16xf32>
      %swap3A_60 = vector.shape_cast %broadcast_in_dim3A_55 : vector<16xf32> to vector<1x16xf32>
      tpu.vector_store %arg5[%swap3A_56, %swap3A_57], %swap3A_60 {strides = array<i32>} : memref<128x128xf32, #tpu.memory_space<vmem>>, vector<1x16xf32>,
      %broadcast_in_dim3A_61 = arith.constant 0.000000e+00 : f32
      %broadcast_in_dim3A_62 = vector.broadcast %broadcast_in_dim3A_61 : f32 to vector<16xf32>
      %swap3A_63 = arith.index_cast %add3A_27 : i32 to index
      %swap3A_64 = arith.constant 80 : index
      %swap3A_65 = tpu.vector_load %arg5[%swap3A_63, %swap3A_64] {strides = array<i32>} : memref<128x128xf32, #tpu.memory_space<vmem>>, vector<1x16xf32>,
      %swap3A_66 = vector.shape_cast %swap3A_65 : vector<1x16xf32> to vector<16xf32>
      %swap3A_67 = vector.shape_cast %broadcast_in_dim3A_62 : vector<16xf32> to vector<1x16xf32>
      tpu.vector_store %arg5[%swap3A_63, %swap3A_64], %swap3A_67 {strides = array<i32>} : memref<128x128xf32, #tpu.memory_space<vmem>>, vector<1x16xf32>,
      %broadcast_in_dim3A_68 = arith.constant 0.000000e+00 : f32
      %broadcast_in_dim3A_69 = vector.broadcast %broadcast_in_dim3A_68 : f32 to vector<16xf32>
      %swap3A_70 = arith.index_cast %add3A_27 : i32 to index
      %swap3A_71 = arith.constant 96 : index
      %swap3A_72 = tpu.vector_load %arg5[%swap3A_70, %swap3A_71] {strides = array<i32>} : memref<128x128xf32, #tpu.memory_space<vmem>>, vector<1x16xf32>,
      %swap3A_73 = vector.shape_cast %swap3A_72 : vector<1x16xf32> to vector<16xf32>
      %swap3A_74 = vector.shape_cast %broadcast_in_dim3A_69 : vector<16xf32> to vector<1x16xf32>
      tpu.vector_store %arg5[%swap3A_70, %swap3A_71], %swap3A_74 {strides = array<i32>} : memref<128x128xf32, #tpu.memory_space<vmem>>, vector<1x16xf32>,
      %broadcast_in_dim3A_75 = arith.constant 0.000000e+00 : f32
      %broadcast_in_dim3A_76 = vector.broadcast %broadcast_in_dim3A_75 : f32 to vector<16xf32>
      %swap3A_77 = arith.index_cast %add3A_27 : i32 to index
      %swap3A_78 = arith.constant 112 : index
      %swap3A_79 = tpu.vector_load %arg5[%swap3A_77, %swap3A_78] {strides = array<i32>} : memref<128x128xf32, #tpu.memory_space<vmem>>, vector<1x16xf32>,
      %swap3A_80 = vector.shape_cast %swap3A_79 : vector<1x16xf32> to vector<16xf32>
      %swap3A_81 = vector.shape_cast %broadcast_in_dim3A_76 : vector<16xf32> to vector<1x16xf32>
      tpu.vector_store %arg5[%swap3A_77, %swap3A_78], %swap3A_81 {strides = array<i32>} : memref<128x128xf32, #tpu.memory_space<vmem>>, vector<1x16xf32>,
    }
    %scan3A_6 = arith.constant 128 : i32
    %scan3A_7 = arith.constant 0 : i32
    %scan3A_8 = arith.constant 5 : i32
    %scan3A_9 = arith.addi %scan3A_7, %scan3A_8 : i32
    %scan3A_10 = arith.constant 1 : i32
    scf.for %scan3A_23 = %scan3A_7 to %scan3A_9 step %scan3A_10  : i32 {
      %mul3A_24 = arith.constant 1 : i32
      %mul3A_25 = arith.muli %scan3A_23, %mul3A_24 : i32
      %add3A_26 = arith.constant 0 : i32
      %add3A_27 = arith.addi %add3A_26, %mul3A_25 : i32
      %mul3A_28 = arith.constant 640 : i32
      %mul3A_29 = arith.muli %arg1, %mul3A_28 : i32
      %mul3A_30 = arith.constant 128 : i32
      %mul3A_31 = arith.muli %add3A_27, %mul3A_30 : i32
      %add3A_32 = arith.addi %mul3A_29, %mul3A_31 : i32
      "tpu.region"() ({
        %run_scoped3A = tpu.sem_alloc : memref<!tpu.dma_semaphore, #tpu.memory_space<semaphore_mem>>
        %dma_start3A = arith.constant 0 : i32
        %dma_start3A_33 = tpu.memref_slice %arg6[%add3A_32, %dma_start3A] : memref<10240x128xf32, #tpu.memory_space<vmem_shared>> -> memref<128x128xf32, #tpu.memory_space<vmem_shared>>
        %dma_start3A_34 = arith.constant 0 : i32
        %dma_start3A_35 = tpu.memref_slice %arg6[%add3A_32, %dma_start3A_34] : memref<10240x128xf32, #tpu.memory_space<vmem_shared>> -> memref<128x128xf32, #tpu.memory_space<vmem_shared>>
        tpu.enqueue_dma source(%arg5 : memref<128x128xf32, #tpu.memory_space<vmem>>) target(%dma_start3A_35 : memref<128x128xf32, #tpu.memory_space<vmem_shared>>) target_semaphore(%run_scoped3A : memref<!tpu.dma_semaphore, #tpu.memory_space<semaphore_mem>>)
        %dma_wait3A = arith.constant 0 : i32
        %dma_wait3A_36 = tpu.memref_slice %arg6[%add3A_32, %dma_wait3A] : memref<10240x128xf32, #tpu.memory_space<vmem_shared>> -> memref<128x128xf32, #tpu.memory_space<vmem_shared>>
        %dma_wait3A_37 = arith.constant 0 : i32
        %dma_wait3A_38 = tpu.memref_slice %arg6[%add3A_32, %dma_wait3A_37] : memref<10240x128xf32, #tpu.memory_space<vmem_shared>> -> memref<128x128xf32, #tpu.memory_space<vmem_shared>>
        tpu.wait_dma2 semaphore(%run_scoped3A : memref<!tpu.dma_semaphore, #tpu.memory_space<semaphore_mem>>) src(%arg5 : memref<128x128xf32, #tpu.memory_space<vmem>>) dst(%dma_wait3A_38 : memref<128x128xf32, #tpu.memory_space<vmem_shared>>)
        tpu.yield
      }) : () -> ()
    }
    %scan3A_11 = arith.constant 5 : i32
    %scan3A_12 = arith.constant 0 : i32
    %scan3A_13 = arith.constant 128 : i32
    %scan3A_14 = arith.addi %scan3A_12, %scan3A_13 : i32
    %scan3A_15 = arith.constant 1 : i32
    scf.for %scan3A_23 = %scan3A_12 to %scan3A_14 step %scan3A_15  : i32 {
      %mul3A_24 = arith.constant 1 : i32
      %mul3A_25 = arith.muli %scan3A_23, %mul3A_24 : i32
      %add3A_26 = arith.constant 0 : i32
      %add3A_27 = arith.addi %add3A_26, %mul3A_25 : i32
      %broadcast_in_dim3A = arith.constant 1.000000e+00 : f32
      %broadcast_in_dim3A_28 = vector.broadcast %broadcast_in_dim3A : f32 to vector<16xf32>
      %swap3A = arith.index_cast %add3A_27 : i32 to index
      %swap3A_29 = arith.constant 0 : index
      %swap3A_30 = tpu.vector_load %arg5[%swap3A, %swap3A_29] {strides = array<i32>} : memref<128x128xf32, #tpu.memory_space<vmem>>, vector<1x16xf32>,
      %swap3A_31 = vector.shape_cast %swap3A_30 : vector<1x16xf32> to vector<16xf32>
      %swap3A_32 = vector.shape_cast %broadcast_in_dim3A_28 : vector<16xf32> to vector<1x16xf32>
      tpu.vector_store %arg5[%swap3A, %swap3A_29], %swap3A_32 {strides = array<i32>} : memref<128x128xf32, #tpu.memory_space<vmem>>, vector<1x16xf32>,
      %broadcast_in_dim3A_33 = arith.constant 1.000000e+00 : f32
      %broadcast_in_dim3A_34 = vector.broadcast %broadcast_in_dim3A_33 : f32 to vector<16xf32>
      %swap3A_35 = arith.index_cast %add3A_27 : i32 to index
      %swap3A_36 = arith.constant 16 : index
      %swap3A_37 = tpu.vector_load %arg5[%swap3A_35, %swap3A_36] {strides = array<i32>} : memref<128x128xf32, #tpu.memory_space<vmem>>, vector<1x16xf32>,
      %swap3A_38 = vector.shape_cast %swap3A_37 : vector<1x16xf32> to vector<16xf32>
      %swap3A_39 = vector.shape_cast %broadcast_in_dim3A_34 : vector<16xf32> to vector<1x16xf32>
      tpu.vector_store %arg5[%swap3A_35, %swap3A_36], %swap3A_39 {strides = array<i32>} : memref<128x128xf32, #tpu.memory_space<vmem>>, vector<1x16xf32>,
      %broadcast_in_dim3A_40 = arith.constant 1.000000e+00 : f32
      %broadcast_in_dim3A_41 = vector.broadcast %broadcast_in_dim3A_40 : f32 to vector<16xf32>
      %swap3A_42 = arith.index_cast %add3A_27 : i32 to index
      %swap3A_43 = arith.constant 32 : index
      %swap3A_44 = tpu.vector_load %arg5[%swap3A_42, %swap3A_43] {strides = array<i32>} : memref<128x128xf32, #tpu.memory_space<vmem>>, vector<1x16xf32>,
      %swap3A_45 = vector.shape_cast %swap3A_44 : vector<1x16xf32> to vector<16xf32>
      %swap3A_46 = vector.shape_cast %broadcast_in_dim3A_41 : vector<16xf32> to vector<1x16xf32>
      tpu.vector_store %arg5[%swap3A_42, %swap3A_43], %swap3A_46 {strides = array<i32>} : memref<128x128xf32, #tpu.memory_space<vmem>>, vector<1x16xf32>,
      %broadcast_in_dim3A_47 = arith.constant 1.000000e+00 : f32
      %broadcast_in_dim3A_48 = vector.broadcast %broadcast_in_dim3A_47 : f32 to vector<16xf32>
      %swap3A_49 = arith.index_cast %add3A_27 : i32 to index
      %swap3A_50 = arith.constant 48 : index
      %swap3A_51 = tpu.vector_load %arg5[%swap3A_49, %swap3A_50] {strides = array<i32>} : memref<128x128xf32, #tpu.memory_space<vmem>>, vector<1x16xf32>,
      %swap3A_52 = vector.shape_cast %swap3A_51 : vector<1x16xf32> to vector<16xf32>
      %swap3A_53 = vector.shape_cast %broadcast_in_dim3A_48 : vector<16xf32> to vector<1x16xf32>
      tpu.vector_store %arg5[%swap3A_49, %swap3A_50], %swap3A_53 {strides = array<i32>} : memref<128x128xf32, #tpu.memory_space<vmem>>, vector<1x16xf32>,
      %broadcast_in_dim3A_54 = arith.constant 1.000000e+00 : f32
      %broadcast_in_dim3A_55 = vector.broadcast %broadcast_in_dim3A_54 : f32 to vector<16xf32>
      %swap3A_56 = arith.index_cast %add3A_27 : i32 to index
      %swap3A_57 = arith.constant 64 : index
      %swap3A_58 = tpu.vector_load %arg5[%swap3A_56, %swap3A_57] {strides = array<i32>} : memref<128x128xf32, #tpu.memory_space<vmem>>, vector<1x16xf32>,
      %swap3A_59 = vector.shape_cast %swap3A_58 : vector<1x16xf32> to vector<16xf32>
      %swap3A_60 = vector.shape_cast %broadcast_in_dim3A_55 : vector<16xf32> to vector<1x16xf32>
      tpu.vector_store %arg5[%swap3A_56, %swap3A_57], %swap3A_60 {strides = array<i32>} : memref<128x128xf32, #tpu.memory_space<vmem>>, vector<1x16xf32>,
      %broadcast_in_dim3A_61 = arith.constant 1.000000e+00 : f32
      %broadcast_in_dim3A_62 = vector.broadcast %broadcast_in_dim3A_61 : f32 to vector<16xf32>
      %swap3A_63 = arith.index_cast %add3A_27 : i32 to index
      %swap3A_64 = arith.constant 80 : index
      %swap3A_65 = tpu.vector_load %arg5[%swap3A_63, %swap3A_64] {strides = array<i32>} : memref<128x128xf32, #tpu.memory_space<vmem>>, vector<1x16xf32>,
      %swap3A_66 = vector.shape_cast %swap3A_65 : vector<1x16xf32> to vector<16xf32>
      %swap3A_67 = vector.shape_cast %broadcast_in_dim3A_62 : vector<16xf32> to vector<1x16xf32>
      tpu.vector_store %arg5[%swap3A_63, %swap3A_64], %swap3A_67 {strides = array<i32>} : memref<128x128xf32, #tpu.memory_space<vmem>>, vector<1x16xf32>,
      %broadcast_in_dim3A_68 = arith.constant 1.000000e+00 : f32
      %broadcast_in_dim3A_69 = vector.broadcast %broadcast_in_dim3A_68 : f32 to vector<16xf32>
      %swap3A_70 = arith.index_cast %add3A_27 : i32 to index
      %swap3A_71 = arith.constant 96 : index
      %swap3A_72 = tpu.vector_load %arg5[%swap3A_70, %swap3A_71] {strides = array<i32>} : memref<128x128xf32, #tpu.memory_space<vmem>>, vector<1x16xf32>,
      %swap3A_73 = vector.shape_cast %swap3A_72 : vector<1x16xf32> to vector<16xf32>
      %swap3A_74 = vector.shape_cast %broadcast_in_dim3A_69 : vector<16xf32> to vector<1x16xf32>
      tpu.vector_store %arg5[%swap3A_70, %swap3A_71], %swap3A_74 {strides = array<i32>} : memref<128x128xf32, #tpu.memory_space<vmem>>, vector<1x16xf32>,
      %broadcast_in_dim3A_75 = arith.constant 1.000000e+00 : f32
      %broadcast_in_dim3A_76 = vector.broadcast %broadcast_in_dim3A_75 : f32 to vector<16xf32>
      %swap3A_77 = arith.index_cast %add3A_27 : i32 to index
      %swap3A_78 = arith.constant 112 : index
      %swap3A_79 = tpu.vector_load %arg5[%swap3A_77, %swap3A_78] {strides = array<i32>} : memref<128x128xf32, #tpu.memory_space<vmem>>, vector<1x16xf32>,
      %swap3A_80 = vector.shape_cast %swap3A_79 : vector<1x16xf32> to vector<16xf32>
      %swap3A_81 = vector.shape_cast %broadcast_in_dim3A_76 : vector<16xf32> to vector<1x16xf32>
      tpu.vector_store %arg5[%swap3A_77, %swap3A_78], %swap3A_81 {strides = array<i32>} : memref<128x128xf32, #tpu.memory_space<vmem>>, vector<1x16xf32>,
    }
    %scan3A_16 = arith.constant 128 : i32
    %barrier3A = arith.constant 0 : index
    tpu.barrier barrier_id(%barrier3A)
    %scan3A_17 = arith.constant 0 : i32
    %scan3A_18 = arith.constant 79 : i32
    %scan3A_19 = arith.addi %scan3A_17, %scan3A_18 : i32
    %scan3A_20 = arith.constant 1 : i32
    scf.for %scan3A_23 = %scan3A_17 to %scan3A_19 step %scan3A_20  : i32 {
      %mul3A_24 = arith.constant 1 : i32
      %mul3A_25 = arith.muli %scan3A_23, %mul3A_24 : i32
      %add3A_26 = arith.constant 0 : i32
      %add3A_27 = arith.addi %add3A_26, %mul3A_25 : i32
      "tpu.region"() ({
        %run_scoped3A = tpu.sem_alloc : memref<!tpu.dma_semaphore, #tpu.memory_space<semaphore_mem>>
        %dma_start3A = arith.constant 0 : i32
        %dma_start3A_28 = tpu.memref_slice %arg4[%add3A_27, %dma_start3A] : memref<79x128xi32, #tpu.memory_space<vmem>> -> memref<1x128xi32, #tpu.memory_space<vmem>>
        %dma_start3A_29 = tpu.memref_squeeze %dma_start3A_28 : memref<1x128xi32, #tpu.memory_space<vmem>> -> memref<128xi32, #tpu.memory_space<vmem>>
        %dma_start3A_30 = arith.constant 0 : i32
        %dma_start3A_31 = arith.constant 0 : i32
        %dma_start3A_32 = tpu.memref_slice %arg6[%dma_start3A_30, %dma_start3A_31] : memref<10240x128xf32, #tpu.memory_space<vmem_shared>> -> memref<10240x128xf32, #tpu.memory_space<vmem_shared>>
        tpu.enqueue_indirect_dma source(%arg5 : memref<128x128xf32, #tpu.memory_space<vmem>>) target(%dma_start3A_32 : memref<10240x128xf32, #tpu.memory_space<vmem_shared>>) offsets(%dma_start3A_29 : memref<128xi32, #tpu.memory_space<vmem>>) semaphore(%run_scoped3A : memref<!tpu.dma_semaphore, #tpu.memory_space<semaphore_mem>>) {add = true}
        %dma_wait3A = arith.constant 0 : i32
        %dma_wait3A_33 = tpu.memref_slice %arg4[%add3A_27, %dma_wait3A] : memref<79x128xi32, #tpu.memory_space<vmem>> -> memref<1x128xi32, #tpu.memory_space<vmem>>
        %dma_wait3A_34 = tpu.memref_squeeze %dma_wait3A_33 : memref<1x128xi32, #tpu.memory_space<vmem>> -> memref<128xi32, #tpu.memory_space<vmem>>
        %dma_wait3A_35 = arith.constant 0 : i32
        %dma_wait3A_36 = arith.constant 0 : i32
        %dma_wait3A_37 = tpu.memref_slice %arg6[%dma_wait3A_35, %dma_wait3A_36] : memref<10240x128xf32, #tpu.memory_space<vmem_shared>> -> memref<10240x128xf32, #tpu.memory_space<vmem_shared>>
        tpu.wait_indirect_dma semaphore(%run_scoped3A : memref<!tpu.dma_semaphore, #tpu.memory_space<semaphore_mem>>) src(%arg5 : memref<128x128xf32, #tpu.memory_space<vmem>>) dst(%dma_wait3A_37 : memref<10240x128xf32, #tpu.memory_space<vmem_shared>>)
        tpu.yield
      }) : () -> ()
    }
    %scan3A_21 = arith.constant 79 : i32
    %barrier3A_22 = arith.constant 0 : index
    tpu.barrier barrier_id(%barrier3A_22)
    "tpu.region"() ({
      %run_scoped3A = tpu.sem_alloc : memref<!tpu.dma_semaphore, #tpu.memory_space<semaphore_mem>>
      %dma_start3A = arith.constant 0 : i32
      %dma_start3A_23 = tpu.memref_slice %arg3[%arg0, %mul3A_2, %dma_start3A] : memref<2x10240x128xf32, #tpu.memory_space<hbm>> -> memref<1x640x128xf32, #tpu.memory_space<hbm>>
      %dma_start3A_24 = tpu.memref_squeeze %dma_start3A_23 : memref<1x640x128xf32, #tpu.memory_space<hbm>> -> memref<640x128xf32, #tpu.memory_space<hbm>>
      %dma_start3A_25 = arith.constant 0 : i32
      %dma_start3A_26 = tpu.memref_slice %arg6[%mul3A_2, %dma_start3A_25] : memref<10240x128xf32, #tpu.memory_space<vmem_shared>> -> memref<640x128xf32, #tpu.memory_space<vmem_shared>>
      tpu.enqueue_dma source(%dma_start3A_26 : memref<640x128xf32, #tpu.memory_space<vmem_shared>>) target(%dma_start3A_24 : memref<640x128xf32, #tpu.memory_space<hbm>>) target_semaphore(%run_scoped3A : memref<!tpu.dma_semaphore, #tpu.memory_space<semaphore_mem>>)
      %dma_wait3A = arith.constant 0 : i32
      %dma_wait3A_27 = tpu.memref_slice %arg3[%arg0, %mul3A_2, %dma_wait3A] : memref<2x10240x128xf32, #tpu.memory_space<hbm>> -> memref<1x640x128xf32, #tpu.memory_space<hbm>>
      %dma_wait3A_28 = tpu.memref_squeeze %dma_wait3A_27 : memref<1x640x128xf32, #tpu.memory_space<hbm>> -> memref<640x128xf32, #tpu.memory_space<hbm>>
      %dma_wait3A_29 = arith.constant 0 : i32
      %dma_wait3A_30 = tpu.memref_slice %arg6[%mul3A_2, %dma_wait3A_29] : memref<10240x128xf32, #tpu.memory_space<vmem_shared>> -> memref<640x128xf32, #tpu.memory_space<vmem_shared>>
      tpu.wait_dma2 semaphore(%run_scoped3A : memref<!tpu.dma_semaphore, #tpu.memory_space<semaphore_mem>>) src(%dma_wait3A_30 : memref<640x128xf32, #tpu.memory_space<vmem_shared>>) dst(%dma_wait3A_28 : memref<640x128xf32, #tpu.memory_space<hbm>>)
      tpu.yield
    }) : () -> ()
    return
  }
}

module attributes {stable_mosaic.version = 14 : i64} {
  func.func @_tc2_body(%arg0: i32, %arg1: memref<2x2048x128xf32, #tpu.memory_space<vmem>>, %arg2: memref<2x2048x128xf32, #tpu.memory_space<vmem>>, %arg3: memref<2048x128xf32, #tpu.memory_space<vmem>>, %arg4: memref<2048x128xf32, #tpu.memory_space<vmem>>, %arg5: memref<256x128xf32, #tpu.memory_space<vmem>>, %arg6: memref<1x128xf32, #tpu.memory_space<vmem>>, %arg7: memref<256x128xf32, #tpu.memory_space<vmem>>, %arg8: memref<2048x128xf32, #tpu.memory_space<vmem>>, %arg9: memref<2048x128xf32, #tpu.memory_space<vmem>>, %arg10: memref<2048x128xf32, #tpu.memory_space<vmem>>) attributes {dimension_semantics = [#tpu.dimension_semantics<arbitrary>], iteration_bounds = array<i64: 5>, scalar_prefetch = 0 : i64, scratch_operands = 0 : i64, tpu.core_type = #tpu.core_type<tc>, window_params = [{transform_indices = @transform_0, window_bounds = array<i64: 2, 2048, 128>}, {transform_indices = @transform_1, window_bounds = array<i64: 2, 2048, 128>}, {transform_indices = @transform_2, window_bounds = array<i64: 2048, 128>}, {transform_indices = @transform_3, window_bounds = array<i64: 2048, 128>}, {pipeline_mode = #tpu.pipeline_mode<synchronous>, transform_indices = @transform_4, window_bounds = array<i64: 256, 128>}, {pipeline_mode = #tpu.pipeline_mode<synchronous>, transform_indices = @transform_5, window_bounds = array<i64: 1, 128>}, {pipeline_mode = #tpu.pipeline_mode<synchronous>, transform_indices = @transform_6, window_bounds = array<i64: 256, 128>}, {transform_indices = @transform_7, window_bounds = array<i64: 2048, 128>}, {transform_indices = @transform_8, window_bounds = array<i64: 2048, 128>}, {transform_indices = @transform_9, window_bounds = array<i64: 2048, 128>}]} {
    %get3A = arith.constant 0 : index
    %get3A_0 = arith.constant 0 : index
    %get3A_1 = arith.constant 0 : index
    %get3A_2 = vector.load %arg2[%get3A, %get3A_0, %get3A_1] : memref<2x2048x128xf32, #tpu.memory_space<vmem>>, vector<1x2048x1xf32>
    %get3A_3 = vector.shape_cast %get3A_2 : vector<1x2048x1xf32> to vector<2048x1xf32>
    %get3A_4 = arith.constant 1 : index
    %get3A_5 = arith.constant 0 : index
    %get3A_6 = arith.constant 0 : index
    %get3A_7 = vector.load %arg2[%get3A_4, %get3A_5, %get3A_6] : memref<2x2048x128xf32, #tpu.memory_space<vmem>>, vector<1x2048x1xf32>
    %get3A_8 = vector.shape_cast %get3A_7 : vector<1x2048x1xf32> to vector<2048x1xf32>
    %add3A = arith.addf %get3A_3, %get3A_8 : vector<2048x1xf32>
    %jit3A = arith.constant 1.000000e+00 : f32
    %max3A = vector.broadcast %jit3A : f32 to vector<2048x1xf32>
    %max3A_9 = arith.maximumf %max3A, %add3A : vector<2048x1xf32>
    %div3A = arith.constant 1.000000e+00 : f32
    %div3A_10 = vector.broadcast %div3A : f32 to vector<2048x1xf32>
    %div3A_11 = arith.divf %div3A_10, %max3A_9 : vector<2048x1xf32>
    %get3A_12 = arith.constant 0 : index
    %get3A_13 = arith.constant 0 : index
    %get3A_14 = arith.constant 0 : index
    %get3A_15 = vector.load %arg1[%get3A_12, %get3A_13, %get3A_14] : memref<2x2048x128xf32, #tpu.memory_space<vmem>>, vector<1x2048x128xf32>
    %get3A_16 = vector.shape_cast %get3A_15 : vector<1x2048x128xf32> to vector<2048x128xf32>
    %get3A_17 = arith.constant 1 : index
    %get3A_18 = arith.constant 0 : index
    %get3A_19 = arith.constant 0 : index
    %get3A_20 = vector.load %arg1[%get3A_17, %get3A_18, %get3A_19] : memref<2x2048x128xf32, #tpu.memory_space<vmem>>, vector<1x2048x128xf32>
    %get3A_21 = vector.shape_cast %get3A_20 : vector<1x2048x128xf32> to vector<2048x128xf32>
    %add3A_22 = arith.addf %get3A_16, %get3A_21 : vector<2048x128xf32>
    %mul3A = vector.broadcast %div3A_11 : vector<2048x1xf32> to vector<2048x128xf32>
    %mul3A_23 = arith.mulf %add3A_22, %mul3A : vector<2048x128xf32>
    %get3A_24 = arith.constant 0 : index
    %get3A_25 = arith.constant 0 : index
    %get3A_26 = vector.load %arg4[%get3A_24, %get3A_25] : memref<2048x128xf32, #tpu.memory_space<vmem>>, vector<2048x128xf32>
    %add3A_27 = arith.addf %mul3A_23, %get3A_26 : vector<2048x128xf32>
    %max3A_28 = arith.constant 0.000000e+00 : f32
    %max3A_29 = vector.broadcast %max3A_28 : f32 to vector<2048x128xf32>
    %max3A_30 = arith.maximumf %add3A_27, %max3A_29 : vector<2048x128xf32>
    %swap3A = arith.constant 0 : index
    %swap3A_31 = arith.constant 0 : index
    %swap3A_32 = vector.load %arg8[%swap3A, %swap3A_31] : memref<2048x128xf32, #tpu.memory_space<vmem>>, vector<2048x128xf32>
    tpu.vector_store %arg8[%swap3A, %swap3A_31], %max3A_30 {strides = array<i32>} : memref<2048x128xf32, #tpu.memory_space<vmem>>, vector<2048x128xf32>,
    %get3A_33 = arith.constant 0 : index
    %get3A_34 = arith.constant 0 : index
    %get3A_35 = vector.load %arg3[%get3A_33, %get3A_34] : memref<2048x128xf32, #tpu.memory_space<vmem>>, vector<2048x128xf32>
    %get3A_36 = arith.constant 0 : index
    %get3A_37 = arith.constant 0 : index
    %get3A_38 = vector.load %arg5[%get3A_36, %get3A_37] : memref<256x128xf32, #tpu.memory_space<vmem>>, vector<256x128xf32>
    %get3A_39 = arith.constant 0 : index
    %get3A_40 = arith.constant 0 : index
    %get3A_41 = vector.load %arg7[%get3A_39, %get3A_40] : memref<256x128xf32, #tpu.memory_space<vmem>>, vector<256x128xf32>
    %slice3A = vector.extract_strided_slice %get3A_38 {offsets = [0, 0], sizes = [128, 128], strides = [1, 1]} : vector<256x128xf32> to vector<128x128xf32>
    %dot_general3A = arith.constant dense<0.000000e+00> : vector<2048x128xf32>
    %dot_general3A_42 = tpu.matmul %get3A_35, %slice3A, %dot_general3A {dimension_numbers = #tpu.dot_dimension_numbers<[1], [0], [0], [1], [0, 0, 1, 1], [], []>, transpose_lhs_hint = false} : vector<2048x128xf32>, vector<128x128xf32>, vector<2048x128xf32> -> vector<2048x128xf32>
    %slice3A_43 = vector.extract_strided_slice %get3A_38 {offsets = [128, 0], sizes = [128, 128], strides = [1, 1]} : vector<256x128xf32> to vector<128x128xf32>
    %dot_general3A_44 = arith.constant dense<0.000000e+00> : vector<2048x128xf32>
    %dot_general3A_45 = tpu.matmul %max3A_30, %slice3A_43, %dot_general3A_44 {dimension_numbers = #tpu.dot_dimension_numbers<[1], [0], [0], [1], [0, 0, 1, 1], [], []>, transpose_lhs_hint = false} : vector<2048x128xf32>, vector<128x128xf32>, vector<2048x128xf32> -> vector<2048x128xf32>
    %add3A_46 = arith.addf %dot_general3A_42, %dot_general3A_45 : vector<2048x128xf32>
    %swap3A_47 = arith.constant 0 : index
    %swap3A_48 = arith.constant 0 : index
    %swap3A_49 = vector.load %arg9[%swap3A_47, %swap3A_48] : memref<2048x128xf32, #tpu.memory_space<vmem>>, vector<2048x128xf32>
    tpu.vector_store %arg9[%swap3A_47, %swap3A_48], %add3A_46 {strides = array<i32>} : memref<2048x128xf32, #tpu.memory_space<vmem>>, vector<2048x128xf32>,
    %slice3A_50 = vector.extract_strided_slice %get3A_41 {offsets = [0, 0], sizes = [128, 128], strides = [1, 1]} : vector<256x128xf32> to vector<128x128xf32>
    %dot_general3A_51 = arith.constant dense<0.000000e+00> : vector<2048x128xf32>
    %dot_general3A_52 = tpu.matmul %get3A_35, %slice3A_50, %dot_general3A_51 {dimension_numbers = #tpu.dot_dimension_numbers<[1], [0], [0], [1], [0, 0, 1, 1], [], []>, transpose_lhs_hint = false} : vector<2048x128xf32>, vector<128x128xf32>, vector<2048x128xf32> -> vector<2048x128xf32>
    %slice3A_53 = vector.extract_strided_slice %get3A_41 {offsets = [128, 0], sizes = [128, 128], strides = [1, 1]} : vector<256x128xf32> to vector<128x128xf32>
    %dot_general3A_54 = arith.constant dense<0.000000e+00> : vector<2048x128xf32>
    %dot_general3A_55 = tpu.matmul %max3A_30, %slice3A_53, %dot_general3A_54 {dimension_numbers = #tpu.dot_dimension_numbers<[1], [0], [0], [1], [0, 0, 1, 1], [], []>, transpose_lhs_hint = false} : vector<2048x128xf32>, vector<128x128xf32>, vector<2048x128xf32> -> vector<2048x128xf32>
    %add3A_56 = arith.addf %dot_general3A_52, %dot_general3A_55 : vector<2048x128xf32>
    %get3A_57 = arith.constant 0 : index
    %get3A_58 = arith.constant 0 : index
    %get3A_59 = vector.load %arg6[%get3A_57, %get3A_58] : memref<1x128xf32, #tpu.memory_space<vmem>>, vector<1x128xf32>
    %add3A_60 = vector.broadcast %get3A_59 : vector<1x128xf32> to vector<2048x128xf32>
    %add3A_61 = arith.addf %add3A_56, %add3A_60 : vector<2048x128xf32>
    %swap3A_62 = arith.constant 0 : index
    %swap3A_63 = arith.constant 0 : index
    %swap3A_64 = vector.load %arg10[%swap3A_62, %swap3A_63] : memref<2048x128xf32, #tpu.memory_space<vmem>>, vector<2048x128xf32>
    tpu.vector_store %arg10[%swap3A_62, %swap3A_63], %add3A_61 {strides = array<i32>} : memref<2048x128xf32, #tpu.memory_space<vmem>>, vector<2048x128xf32>,
    return
  }
  func.func @transform_0(%arg0: i32) -> (i32, i32, i32) {
    %c0_i32 = arith.constant 0 : i32
    %c0_i32_0 = arith.constant 0 : i32
    %c0_i32_1 = arith.constant 0 : i32
    return %c0_i32, %arg0, %c0_i32_0 : i32, i32, i32
  }
  func.func @transform_1(%arg0: i32) -> (i32, i32, i32) {
    %c0_i32 = arith.constant 0 : i32
    %c0_i32_0 = arith.constant 0 : i32
    %c0_i32_1 = arith.constant 0 : i32
    return %c0_i32, %arg0, %c0_i32_0 : i32, i32, i32
  }
  func.func @transform_2(%arg0: i32) -> (i32, i32) {
    %c0_i32 = arith.constant 0 : i32
    %c0_i32_0 = arith.constant 0 : i32
    return %arg0, %c0_i32 : i32, i32
  }
  func.func @transform_3(%arg0: i32) -> (i32, i32) {
    %c0_i32 = arith.constant 0 : i32
    %c0_i32_0 = arith.constant 0 : i32
    return %arg0, %c0_i32 : i32, i32
  }
  func.func @transform_4(%arg0: i32) -> (i32, i32) {
    %c0_i32 = arith.constant 0 : i32
    %c0_i32_0 = arith.constant 0 : i32
    %c0_i32_1 = arith.constant 0 : i32
    return %c0_i32, %c0_i32_0 : i32, i32
  }
  func.func @transform_5(%arg0: i32) -> (i32, i32) {
    %c0_i32 = arith.constant 0 : i32
    %c0_i32_0 = arith.constant 0 : i32
    %c0_i32_1 = arith.constant 0 : i32
    return %c0_i32, %c0_i32_0 : i32, i32
  }
  func.func @transform_6(%arg0: i32) -> (i32, i32) {
    %c0_i32 = arith.constant 0 : i32
    %c0_i32_0 = arith.constant 0 : i32
    %c0_i32_1 = arith.constant 0 : i32
    return %c0_i32, %c0_i32_0 : i32, i32
  }
  func.func @transform_7(%arg0: i32) -> (i32, i32) {
    %c0_i32 = arith.constant 0 : i32
    %c0_i32_0 = arith.constant 0 : i32
    return %arg0, %c0_i32 : i32, i32
  }
  func.func @transform_8(%arg0: i32) -> (i32, i32) {
    %c0_i32 = arith.constant 0 : i32
    %c0_i32_0 = arith.constant 0 : i32
    return %arg0, %c0_i32 : i32, i32
  }
  func.func @transform_9(%arg0: i32) -> (i32, i32) {
    %c0_i32 = arith.constant 0 : i32
    %c0_i32_0 = arith.constant 0 : i32
    return %arg0, %c0_i32 : i32, i32
  }
}

module attributes {stable_mosaic.version = 14 : i64} {
  func.func @_tc1_body(%arg0: i32, %arg1: memref<2048x128xf32, #tpu.memory_space<vmem>>, %arg2: memref<128x128xf32, #tpu.memory_space<vmem>>, %arg3: memref<1x128xf32, #tpu.memory_space<vmem>>, %arg4: memref<128x128xf32, #tpu.memory_space<vmem>>, %arg5: memref<1x128xf32, #tpu.memory_space<vmem>>, %arg6: memref<128x128xf32, #tpu.memory_space<vmem>>, %arg7: memref<2048x128xf32, #tpu.memory_space<vmem>>, %arg8: memref<2048x128xf32, #tpu.memory_space<vmem>>, %arg9: memref<2048x128xf32, #tpu.memory_space<vmem>>) attributes {dimension_semantics = [#tpu.dimension_semantics<arbitrary>], iteration_bounds = array<i64: 5>, scalar_prefetch = 0 : i64, scratch_operands = 0 : i64, tpu.core_type = #tpu.core_type<tc>, window_params = [{transform_indices = @transform_0, window_bounds = array<i64: 2048, 128>}, {pipeline_mode = #tpu.pipeline_mode<synchronous>, transform_indices = @transform_1, window_bounds = array<i64: 128, 128>}, {pipeline_mode = #tpu.pipeline_mode<synchronous>, transform_indices = @transform_2, window_bounds = array<i64: 1, 128>}, {pipeline_mode = #tpu.pipeline_mode<synchronous>, transform_indices = @transform_3, window_bounds = array<i64: 128, 128>}, {pipeline_mode = #tpu.pipeline_mode<synchronous>, transform_indices = @transform_4, window_bounds = array<i64: 1, 128>}, {pipeline_mode = #tpu.pipeline_mode<synchronous>, transform_indices = @transform_5, window_bounds = array<i64: 128, 128>}, {transform_indices = @transform_6, window_bounds = array<i64: 2048, 128>}, {transform_indices = @transform_7, window_bounds = array<i64: 2048, 128>}, {transform_indices = @transform_8, window_bounds = array<i64: 2048, 128>}]} {
    %get3A = arith.constant 0 : index
    %get3A_0 = arith.constant 0 : index
    %get3A_1 = vector.load %arg1[%get3A, %get3A_0] : memref<2048x128xf32, #tpu.memory_space<vmem>>, vector<2048x128xf32>
    %get3A_2 = arith.constant 0 : index
    %get3A_3 = arith.constant 0 : index
    %get3A_4 = vector.load %arg2[%get3A_2, %get3A_3] : memref<128x128xf32, #tpu.memory_space<vmem>>, vector<128x128xf32>
    %dot_general3A = arith.constant dense<0.000000e+00> : vector<2048x128xf32>
    %dot_general3A_5 = tpu.matmul %get3A_1, %get3A_4, %dot_general3A {dimension_numbers = #tpu.dot_dimension_numbers<[1], [0], [0], [1], [0, 0, 1, 1], [], []>, transpose_lhs_hint = false} : vector<2048x128xf32>, vector<128x128xf32>, vector<2048x128xf32> -> vector<2048x128xf32>
    %get3A_6 = arith.constant 0 : index
    %get3A_7 = arith.constant 0 : index
    %get3A_8 = vector.load %arg3[%get3A_6, %get3A_7] : memref<1x128xf32, #tpu.memory_space<vmem>>, vector<1x128xf32>
    %add3A = vector.broadcast %get3A_8 : vector<1x128xf32> to vector<2048x128xf32>
    %add3A_9 = arith.addf %dot_general3A_5, %add3A : vector<2048x128xf32>
    %max3A = arith.constant 0.000000e+00 : f32
    %max3A_10 = vector.broadcast %max3A : f32 to vector<2048x128xf32>
    %max3A_11 = arith.maximumf %add3A_9, %max3A_10 : vector<2048x128xf32>
    %swap3A = arith.constant 0 : index
    %swap3A_12 = arith.constant 0 : index
    %swap3A_13 = vector.load %arg7[%swap3A, %swap3A_12] : memref<2048x128xf32, #tpu.memory_space<vmem>>, vector<2048x128xf32>
    tpu.vector_store %arg7[%swap3A, %swap3A_12], %max3A_11 {strides = array<i32>} : memref<2048x128xf32, #tpu.memory_space<vmem>>, vector<2048x128xf32>,
    %get3A_14 = arith.constant 0 : index
    %get3A_15 = arith.constant 0 : index
    %get3A_16 = vector.load %arg4[%get3A_14, %get3A_15] : memref<128x128xf32, #tpu.memory_space<vmem>>, vector<128x128xf32>
    %dot_general3A_17 = arith.constant dense<0.000000e+00> : vector<2048x128xf32>
    %dot_general3A_18 = tpu.matmul %get3A_1, %get3A_16, %dot_general3A_17 {dimension_numbers = #tpu.dot_dimension_numbers<[1], [0], [0], [1], [0, 0, 1, 1], [], []>, transpose_lhs_hint = false} : vector<2048x128xf32>, vector<128x128xf32>, vector<2048x128xf32> -> vector<2048x128xf32>
    %swap3A_19 = arith.constant 0 : index
    %swap3A_20 = arith.constant 0 : index
    %swap3A_21 = vector.load %arg8[%swap3A_19, %swap3A_20] : memref<2048x128xf32, #tpu.memory_space<vmem>>, vector<2048x128xf32>
    tpu.vector_store %arg8[%swap3A_19, %swap3A_20], %dot_general3A_18 {strides = array<i32>} : memref<2048x128xf32, #tpu.memory_space<vmem>>, vector<2048x128xf32>,
    %get3A_22 = arith.constant 0 : index
    %get3A_23 = arith.constant 0 : index
    %get3A_24 = vector.load %arg6[%get3A_22, %get3A_23] : memref<128x128xf32, #tpu.memory_space<vmem>>, vector<128x128xf32>
    %dot_general3A_25 = arith.constant dense<0.000000e+00> : vector<2048x128xf32>
    %dot_general3A_26 = tpu.matmul %get3A_1, %get3A_24, %dot_general3A_25 {dimension_numbers = #tpu.dot_dimension_numbers<[1], [0], [0], [1], [0, 0, 1, 1], [], []>, transpose_lhs_hint = false} : vector<2048x128xf32>, vector<128x128xf32>, vector<2048x128xf32> -> vector<2048x128xf32>
    %get3A_27 = arith.constant 0 : index
    %get3A_28 = arith.constant 0 : index
    %get3A_29 = vector.load %arg5[%get3A_27, %get3A_28] : memref<1x128xf32, #tpu.memory_space<vmem>>, vector<1x128xf32>
    %add3A_30 = vector.broadcast %get3A_29 : vector<1x128xf32> to vector<2048x128xf32>
    %add3A_31 = arith.addf %dot_general3A_26, %add3A_30 : vector<2048x128xf32>
    %swap3A_32 = arith.constant 0 : index
    %swap3A_33 = arith.constant 0 : index
    %swap3A_34 = vector.load %arg9[%swap3A_32, %swap3A_33] : memref<2048x128xf32, #tpu.memory_space<vmem>>, vector<2048x128xf32>
    tpu.vector_store %arg9[%swap3A_32, %swap3A_33], %add3A_31 {strides = array<i32>} : memref<2048x128xf32, #tpu.memory_space<vmem>>, vector<2048x128xf32>,
    return
  }
  func.func @transform_0(%arg0: i32) -> (i32, i32) {
    %c0_i32 = arith.constant 0 : i32
    %c0_i32_0 = arith.constant 0 : i32
    return %arg0, %c0_i32 : i32, i32
  }
  func.func @transform_1(%arg0: i32) -> (i32, i32) {
    %c0_i32 = arith.constant 0 : i32
    %c0_i32_0 = arith.constant 0 : i32
    %c0_i32_1 = arith.constant 0 : i32
    return %c0_i32, %c0_i32_0 : i32, i32
  }
  func.func @transform_2(%arg0: i32) -> (i32, i32) {
    %c0_i32 = arith.constant 0 : i32
    %c0_i32_0 = arith.constant 0 : i32
    %c0_i32_1 = arith.constant 0 : i32
    return %c0_i32, %c0_i32_0 : i32, i32
  }
  func.func @transform_3(%arg0: i32) -> (i32, i32) {
    %c0_i32 = arith.constant 0 : i32
    %c0_i32_0 = arith.constant 0 : i32
    %c0_i32_1 = arith.constant 0 : i32
    return %c0_i32, %c0_i32_0 : i32, i32
  }
  func.func @transform_4(%arg0: i32) -> (i32, i32) {
    %c0_i32 = arith.constant 0 : i32
    %c0_i32_0 = arith.constant 0 : i32
    %c0_i32_1 = arith.constant 0 : i32
    return %c0_i32, %c0_i32_0 : i32, i32
  }
  func.func @transform_5(%arg0: i32) -> (i32, i32) {
    %c0_i32 = arith.constant 0 : i32
    %c0_i32_0 = arith.constant 0 : i32
    %c0_i32_1 = arith.constant 0 : i32
    return %c0_i32, %c0_i32_0 : i32, i32
  }
  func.func @transform_6(%arg0: i32) -> (i32, i32) {
    %c0_i32 = arith.constant 0 : i32
    %c0_i32_0 = arith.constant 0 : i32
    return %arg0, %c0_i32 : i32, i32
  }
  func.func @transform_7(%arg0: i32) -> (i32, i32) {
    %c0_i32 = arith.constant 0 : i32
    %c0_i32_0 = arith.constant 0 : i32
    return %arg0, %c0_i32 : i32, i32
  }
  func.func @transform_8(%arg0: i32) -> (i32, i32) {
    %c0_i32 = arith.constant 0 : i32
    %c0_i32_0 = arith.constant 0 : i32
    return %arg0, %c0_i32 : i32, i32
  }
}

module attributes {stable_mosaic.version = 14 : i64} {
  func.func @_tc3_body(%arg0: i32, %arg1: memref<2x2048x128xf32, #tpu.memory_space<vmem>>, %arg2: memref<2x2048x128xf32, #tpu.memory_space<vmem>>, %arg3: memref<2048x128xf32, #tpu.memory_space<vmem>>, %arg4: memref<2048x128xf32, #tpu.memory_space<vmem>>, %arg5: memref<2048x128xf32, #tpu.memory_space<vmem>>, %arg6: memref<384x128xf32, #tpu.memory_space<vmem>>, %arg7: memref<1x128xf32, #tpu.memory_space<vmem>>, %arg8: memref<384x128xf32, #tpu.memory_space<vmem>>, %arg9: memref<2048x128xf32, #tpu.memory_space<vmem>>, %arg10: memref<2048x128xf32, #tpu.memory_space<vmem>>) attributes {dimension_semantics = [#tpu.dimension_semantics<arbitrary>], iteration_bounds = array<i64: 5>, scalar_prefetch = 0 : i64, scratch_operands = 0 : i64, tpu.core_type = #tpu.core_type<tc>, window_params = [{transform_indices = @transform_0, window_bounds = array<i64: 2, 2048, 128>}, {transform_indices = @transform_1, window_bounds = array<i64: 2, 2048, 128>}, {transform_indices = @transform_2, window_bounds = array<i64: 2048, 128>}, {transform_indices = @transform_3, window_bounds = array<i64: 2048, 128>}, {transform_indices = @transform_4, window_bounds = array<i64: 2048, 128>}, {pipeline_mode = #tpu.pipeline_mode<synchronous>, transform_indices = @transform_5, window_bounds = array<i64: 384, 128>}, {pipeline_mode = #tpu.pipeline_mode<synchronous>, transform_indices = @transform_6, window_bounds = array<i64: 1, 128>}, {pipeline_mode = #tpu.pipeline_mode<synchronous>, transform_indices = @transform_7, window_bounds = array<i64: 384, 128>}, {transform_indices = @transform_8, window_bounds = array<i64: 2048, 128>}, {transform_indices = @transform_9, window_bounds = array<i64: 2048, 128>}]} {
    %get3A = arith.constant 0 : index
    %get3A_0 = arith.constant 0 : index
    %get3A_1 = arith.constant 0 : index
    %get3A_2 = vector.load %arg2[%get3A, %get3A_0, %get3A_1] : memref<2x2048x128xf32, #tpu.memory_space<vmem>>, vector<1x2048x1xf32>
    %get3A_3 = vector.shape_cast %get3A_2 : vector<1x2048x1xf32> to vector<2048x1xf32>
    %get3A_4 = arith.constant 1 : index
    %get3A_5 = arith.constant 0 : index
    %get3A_6 = arith.constant 0 : index
    %get3A_7 = vector.load %arg2[%get3A_4, %get3A_5, %get3A_6] : memref<2x2048x128xf32, #tpu.memory_space<vmem>>, vector<1x2048x1xf32>
    %get3A_8 = vector.shape_cast %get3A_7 : vector<1x2048x1xf32> to vector<2048x1xf32>
    %add3A = arith.addf %get3A_3, %get3A_8 : vector<2048x1xf32>
    %jit3A = arith.constant 1.000000e+00 : f32
    %max3A = vector.broadcast %jit3A : f32 to vector<2048x1xf32>
    %max3A_9 = arith.maximumf %max3A, %add3A : vector<2048x1xf32>
    %div3A = arith.constant 1.000000e+00 : f32
    %div3A_10 = vector.broadcast %div3A : f32 to vector<2048x1xf32>
    %div3A_11 = arith.divf %div3A_10, %max3A_9 : vector<2048x1xf32>
    %get3A_12 = arith.constant 0 : index
    %get3A_13 = arith.constant 0 : index
    %get3A_14 = arith.constant 0 : index
    %get3A_15 = vector.load %arg1[%get3A_12, %get3A_13, %get3A_14] : memref<2x2048x128xf32, #tpu.memory_space<vmem>>, vector<1x2048x128xf32>
    %get3A_16 = vector.shape_cast %get3A_15 : vector<1x2048x128xf32> to vector<2048x128xf32>
    %get3A_17 = arith.constant 1 : index
    %get3A_18 = arith.constant 0 : index
    %get3A_19 = arith.constant 0 : index
    %get3A_20 = vector.load %arg1[%get3A_17, %get3A_18, %get3A_19] : memref<2x2048x128xf32, #tpu.memory_space<vmem>>, vector<1x2048x128xf32>
    %get3A_21 = vector.shape_cast %get3A_20 : vector<1x2048x128xf32> to vector<2048x128xf32>
    %add3A_22 = arith.addf %get3A_16, %get3A_21 : vector<2048x128xf32>
    %mul3A = vector.broadcast %div3A_11 : vector<2048x1xf32> to vector<2048x128xf32>
    %mul3A_23 = arith.mulf %add3A_22, %mul3A : vector<2048x128xf32>
    %get3A_24 = arith.constant 0 : index
    %get3A_25 = arith.constant 0 : index
    %get3A_26 = vector.load %arg5[%get3A_24, %get3A_25] : memref<2048x128xf32, #tpu.memory_space<vmem>>, vector<2048x128xf32>
    %add3A_27 = arith.addf %mul3A_23, %get3A_26 : vector<2048x128xf32>
    %max3A_28 = arith.constant 0.000000e+00 : f32
    %max3A_29 = vector.broadcast %max3A_28 : f32 to vector<2048x128xf32>
    %max3A_30 = arith.maximumf %add3A_27, %max3A_29 : vector<2048x128xf32>
    %get3A_31 = arith.constant 0 : index
    %get3A_32 = arith.constant 0 : index
    %get3A_33 = vector.load %arg3[%get3A_31, %get3A_32] : memref<2048x128xf32, #tpu.memory_space<vmem>>, vector<2048x128xf32>
    %get3A_34 = arith.constant 0 : index
    %get3A_35 = arith.constant 0 : index
    %get3A_36 = vector.load %arg4[%get3A_34, %get3A_35] : memref<2048x128xf32, #tpu.memory_space<vmem>>, vector<2048x128xf32>
    %get3A_37 = arith.constant 0 : index
    %get3A_38 = arith.constant 0 : index
    %get3A_39 = vector.load %arg6[%get3A_37, %get3A_38] : memref<384x128xf32, #tpu.memory_space<vmem>>, vector<384x128xf32>
    %get3A_40 = arith.constant 0 : index
    %get3A_41 = arith.constant 0 : index
    %get3A_42 = vector.load %arg8[%get3A_40, %get3A_41] : memref<384x128xf32, #tpu.memory_space<vmem>>, vector<384x128xf32>
    %slice3A = vector.extract_strided_slice %get3A_39 {offsets = [0, 0], sizes = [128, 128], strides = [1, 1]} : vector<384x128xf32> to vector<128x128xf32>
    %dot_general3A = arith.constant dense<0.000000e+00> : vector<2048x128xf32>
    %dot_general3A_43 = tpu.matmul %get3A_33, %slice3A, %dot_general3A {dimension_numbers = #tpu.dot_dimension_numbers<[1], [0], [0], [1], [0, 0, 1, 1], [], []>, transpose_lhs_hint = false} : vector<2048x128xf32>, vector<128x128xf32>, vector<2048x128xf32> -> vector<2048x128xf32>
    %slice3A_44 = vector.extract_strided_slice %get3A_39 {offsets = [128, 0], sizes = [128, 128], strides = [1, 1]} : vector<384x128xf32> to vector<128x128xf32>
    %dot_general3A_45 = arith.constant dense<0.000000e+00> : vector<2048x128xf32>
    %dot_general3A_46 = tpu.matmul %get3A_36, %slice3A_44, %dot_general3A_45 {dimension_numbers = #tpu.dot_dimension_numbers<[1], [0], [0], [1], [0, 0, 1, 1], [], []>, transpose_lhs_hint = false} : vector<2048x128xf32>, vector<128x128xf32>, vector<2048x128xf32> -> vector<2048x128xf32>
    %add3A_47 = arith.addf %dot_general3A_43, %dot_general3A_46 : vector<2048x128xf32>
    %slice3A_48 = vector.extract_strided_slice %get3A_39 {offsets = [256, 0], sizes = [128, 128], strides = [1, 1]} : vector<384x128xf32> to vector<128x128xf32>
    %dot_general3A_49 = arith.constant dense<0.000000e+00> : vector<2048x128xf32>
    %dot_general3A_50 = tpu.matmul %max3A_30, %slice3A_48, %dot_general3A_49 {dimension_numbers = #tpu.dot_dimension_numbers<[1], [0], [0], [1], [0, 0, 1, 1], [], []>, transpose_lhs_hint = false} : vector<2048x128xf32>, vector<128x128xf32>, vector<2048x128xf32> -> vector<2048x128xf32>
    %add3A_51 = arith.addf %add3A_47, %dot_general3A_50 : vector<2048x128xf32>
    %swap3A = arith.constant 0 : index
    %swap3A_52 = arith.constant 0 : index
    %swap3A_53 = vector.load %arg9[%swap3A, %swap3A_52] : memref<2048x128xf32, #tpu.memory_space<vmem>>, vector<2048x128xf32>
    tpu.vector_store %arg9[%swap3A, %swap3A_52], %add3A_51 {strides = array<i32>} : memref<2048x128xf32, #tpu.memory_space<vmem>>, vector<2048x128xf32>,
    %slice3A_54 = vector.extract_strided_slice %get3A_42 {offsets = [0, 0], sizes = [128, 128], strides = [1, 1]} : vector<384x128xf32> to vector<128x128xf32>
    %dot_general3A_55 = arith.constant dense<0.000000e+00> : vector<2048x128xf32>
    %dot_general3A_56 = tpu.matmul %get3A_33, %slice3A_54, %dot_general3A_55 {dimension_numbers = #tpu.dot_dimension_numbers<[1], [0], [0], [1], [0, 0, 1, 1], [], []>, transpose_lhs_hint = false} : vector<2048x128xf32>, vector<128x128xf32>, vector<2048x128xf32> -> vector<2048x128xf32>
    %slice3A_57 = vector.extract_strided_slice %get3A_42 {offsets = [128, 0], sizes = [128, 128], strides = [1, 1]} : vector<384x128xf32> to vector<128x128xf32>
    %dot_general3A_58 = arith.constant dense<0.000000e+00> : vector<2048x128xf32>
    %dot_general3A_59 = tpu.matmul %get3A_36, %slice3A_57, %dot_general3A_58 {dimension_numbers = #tpu.dot_dimension_numbers<[1], [0], [0], [1], [0, 0, 1, 1], [], []>, transpose_lhs_hint = false} : vector<2048x128xf32>, vector<128x128xf32>, vector<2048x128xf32> -> vector<2048x128xf32>
    %add3A_60 = arith.addf %dot_general3A_56, %dot_general3A_59 : vector<2048x128xf32>
    %slice3A_61 = vector.extract_strided_slice %get3A_42 {offsets = [256, 0], sizes = [128, 128], strides = [1, 1]} : vector<384x128xf32> to vector<128x128xf32>
    %dot_general3A_62 = arith.constant dense<0.000000e+00> : vector<2048x128xf32>
    %dot_general3A_63 = tpu.matmul %max3A_30, %slice3A_61, %dot_general3A_62 {dimension_numbers = #tpu.dot_dimension_numbers<[1], [0], [0], [1], [0, 0, 1, 1], [], []>, transpose_lhs_hint = false} : vector<2048x128xf32>, vector<128x128xf32>, vector<2048x128xf32> -> vector<2048x128xf32>
    %add3A_64 = arith.addf %add3A_60, %dot_general3A_63 : vector<2048x128xf32>
    %get3A_65 = arith.constant 0 : index
    %get3A_66 = arith.constant 0 : index
    %get3A_67 = vector.load %arg7[%get3A_65, %get3A_66] : memref<1x128xf32, #tpu.memory_space<vmem>>, vector<1x128xf32>
    %add3A_68 = vector.broadcast %get3A_67 : vector<1x128xf32> to vector<2048x128xf32>
    %add3A_69 = arith.addf %add3A_64, %add3A_68 : vector<2048x128xf32>
    %swap3A_70 = arith.constant 0 : index
    %swap3A_71 = arith.constant 0 : index
    %swap3A_72 = vector.load %arg10[%swap3A_70, %swap3A_71] : memref<2048x128xf32, #tpu.memory_space<vmem>>, vector<2048x128xf32>
    tpu.vector_store %arg10[%swap3A_70, %swap3A_71], %add3A_69 {strides = array<i32>} : memref<2048x128xf32, #tpu.memory_space<vmem>>, vector<2048x128xf32>,
    return
  }
  func.func @transform_0(%arg0: i32) -> (i32, i32, i32) {
    %c0_i32 = arith.constant 0 : i32
    %c0_i32_0 = arith.constant 0 : i32
    %c0_i32_1 = arith.constant 0 : i32
    return %c0_i32, %arg0, %c0_i32_0 : i32, i32, i32
  }
  func.func @transform_1(%arg0: i32) -> (i32, i32, i32) {
    %c0_i32 = arith.constant 0 : i32
    %c0_i32_0 = arith.constant 0 : i32
    %c0_i32_1 = arith.constant 0 : i32
    return %c0_i32, %arg0, %c0_i32_0 : i32, i32, i32
  }
  func.func @transform_2(%arg0: i32) -> (i32, i32) {
    %c0_i32 = arith.constant 0 : i32
    %c0_i32_0 = arith.constant 0 : i32
    return %arg0, %c0_i32 : i32, i32
  }
  func.func @transform_3(%arg0: i32) -> (i32, i32) {
    %c0_i32 = arith.constant 0 : i32
    %c0_i32_0 = arith.constant 0 : i32
    return %arg0, %c0_i32 : i32, i32
  }
  func.func @transform_4(%arg0: i32) -> (i32, i32) {
    %c0_i32 = arith.constant 0 : i32
    %c0_i32_0 = arith.constant 0 : i32
    return %arg0, %c0_i32 : i32, i32
  }
  func.func @transform_5(%arg0: i32) -> (i32, i32) {
    %c0_i32 = arith.constant 0 : i32
    %c0_i32_0 = arith.constant 0 : i32
    %c0_i32_1 = arith.constant 0 : i32
    return %c0_i32, %c0_i32_0 : i32, i32
  }
  func.func @transform_6(%arg0: i32) -> (i32, i32) {
    %c0_i32 = arith.constant 0 : i32
    %c0_i32_0 = arith.constant 0 : i32
    %c0_i32_1 = arith.constant 0 : i32
    return %c0_i32, %c0_i32_0 : i32, i32
  }
  func.func @transform_7(%arg0: i32) -> (i32, i32) {
    %c0_i32 = arith.constant 0 : i32
    %c0_i32_0 = arith.constant 0 : i32
    %c0_i32_1 = arith.constant 0 : i32
    return %c0_i32, %c0_i32_0 : i32, i32
  }
  func.func @transform_8(%arg0: i32) -> (i32, i32) {
    %c0_i32 = arith.constant 0 : i32
    %c0_i32_0 = arith.constant 0 : i32
    return %arg0, %c0_i32 : i32, i32
  }
  func.func @transform_9(%arg0: i32) -> (i32, i32) {
    %c0_i32 = arith.constant 0 : i32
    %c0_i32_0 = arith.constant 0 : i32
    return %arg0, %c0_i32 : i32, i32
  }
}

module attributes {stable_mosaic.version = 14 : i64} {
  func.func @_tc4_body(%arg0: i32, %arg1: memref<2x2048x128xf32, #tpu.memory_space<vmem>>, %arg2: memref<2x2048x128xf32, #tpu.memory_space<vmem>>, %arg3: memref<2048x128xf32, #tpu.memory_space<vmem>>, %arg4: memref<2048x128xf32, #tpu.memory_space<vmem>>) attributes {dimension_semantics = [#tpu.dimension_semantics<arbitrary>], iteration_bounds = array<i64: 5>, scalar_prefetch = 0 : i64, scratch_operands = 0 : i64, tpu.core_type = #tpu.core_type<tc>, window_params = [{transform_indices = @transform_0, window_bounds = array<i64: 2, 2048, 128>}, {transform_indices = @transform_1, window_bounds = array<i64: 2, 2048, 128>}, {transform_indices = @transform_2, window_bounds = array<i64: 2048, 128>}, {transform_indices = @transform_3, window_bounds = array<i64: 2048, 128>}]} {
    %get3A = arith.constant 0 : index
    %get3A_0 = arith.constant 0 : index
    %get3A_1 = arith.constant 0 : index
    %get3A_2 = vector.load %arg2[%get3A, %get3A_0, %get3A_1] : memref<2x2048x128xf32, #tpu.memory_space<vmem>>, vector<1x2048x1xf32>
    %get3A_3 = vector.shape_cast %get3A_2 : vector<1x2048x1xf32> to vector<2048x1xf32>
    %get3A_4 = arith.constant 1 : index
    %get3A_5 = arith.constant 0 : index
    %get3A_6 = arith.constant 0 : index
    %get3A_7 = vector.load %arg2[%get3A_4, %get3A_5, %get3A_6] : memref<2x2048x128xf32, #tpu.memory_space<vmem>>, vector<1x2048x1xf32>
    %get3A_8 = vector.shape_cast %get3A_7 : vector<1x2048x1xf32> to vector<2048x1xf32>
    %add3A = arith.addf %get3A_3, %get3A_8 : vector<2048x1xf32>
    %jit3A = arith.constant 1.000000e+00 : f32
    %max3A = vector.broadcast %jit3A : f32 to vector<2048x1xf32>
    %max3A_9 = arith.maximumf %max3A, %add3A : vector<2048x1xf32>
    %div3A = arith.constant 1.000000e+00 : f32
    %div3A_10 = vector.broadcast %div3A : f32 to vector<2048x1xf32>
    %div3A_11 = arith.divf %div3A_10, %max3A_9 : vector<2048x1xf32>
    %get3A_12 = arith.constant 0 : index
    %get3A_13 = arith.constant 0 : index
    %get3A_14 = arith.constant 0 : index
    %get3A_15 = vector.load %arg1[%get3A_12, %get3A_13, %get3A_14] : memref<2x2048x128xf32, #tpu.memory_space<vmem>>, vector<1x2048x128xf32>
    %get3A_16 = vector.shape_cast %get3A_15 : vector<1x2048x128xf32> to vector<2048x128xf32>
    %get3A_17 = arith.constant 1 : index
    %get3A_18 = arith.constant 0 : index
    %get3A_19 = arith.constant 0 : index
    %get3A_20 = vector.load %arg1[%get3A_17, %get3A_18, %get3A_19] : memref<2x2048x128xf32, #tpu.memory_space<vmem>>, vector<1x2048x128xf32>
    %get3A_21 = vector.shape_cast %get3A_20 : vector<1x2048x128xf32> to vector<2048x128xf32>
    %add3A_22 = arith.addf %get3A_16, %get3A_21 : vector<2048x128xf32>
    %mul3A = vector.broadcast %div3A_11 : vector<2048x1xf32> to vector<2048x128xf32>
    %mul3A_23 = arith.mulf %add3A_22, %mul3A : vector<2048x128xf32>
    %get3A_24 = arith.constant 0 : index
    %get3A_25 = arith.constant 0 : index
    %get3A_26 = vector.load %arg3[%get3A_24, %get3A_25] : memref<2048x128xf32, #tpu.memory_space<vmem>>, vector<2048x128xf32>
    %add3A_27 = arith.addf %mul3A_23, %get3A_26 : vector<2048x128xf32>
    %max3A_28 = arith.constant 0.000000e+00 : f32
    %max3A_29 = vector.broadcast %max3A_28 : f32 to vector<2048x128xf32>
    %max3A_30 = arith.maximumf %add3A_27, %max3A_29 : vector<2048x128xf32>
    %swap3A = arith.constant 0 : index
    %swap3A_31 = arith.constant 0 : index
    %swap3A_32 = vector.load %arg4[%swap3A, %swap3A_31] : memref<2048x128xf32, #tpu.memory_space<vmem>>, vector<2048x128xf32>
    tpu.vector_store %arg4[%swap3A, %swap3A_31], %max3A_30 {strides = array<i32>} : memref<2048x128xf32, #tpu.memory_space<vmem>>, vector<2048x128xf32>,
    return
  }
  func.func @transform_0(%arg0: i32) -> (i32, i32, i32) {
    %c0_i32 = arith.constant 0 : i32
    %c0_i32_0 = arith.constant 0 : i32
    %c0_i32_1 = arith.constant 0 : i32
    return %c0_i32, %arg0, %c0_i32_0 : i32, i32, i32
  }
  func.func @transform_1(%arg0: i32) -> (i32, i32, i32) {
    %c0_i32 = arith.constant 0 : i32
    %c0_i32_0 = arith.constant 0 : i32
    %c0_i32_1 = arith.constant 0 : i32
    return %c0_i32, %arg0, %c0_i32_0 : i32, i32, i32
  }
  func.func @transform_2(%arg0: i32) -> (i32, i32) {
    %c0_i32 = arith.constant 0 : i32
    %c0_i32_0 = arith.constant 0 : i32
    return %arg0, %c0_i32 : i32, i32
  }
  func.func @transform_3(%arg0: i32) -> (i32, i32) {
    %c0_i32 = arith.constant 0 : i32
    %c0_i32_0 = arith.constant 0 : i32
    return %arg0, %c0_i32 : i32, i32
  }
}

</mosaic_0001>

<sc_bundles>
// kernel: kernel.10.cloned.1.call-start
scs
__scs_entry_jumppad:
0x0: {  	(pc) =	sbr.rel $0x88, $3  }
0x1: {  	(tag) =	ssettag $0x0;
	lr =	simm.s32 $0x1  }
0x2: {  	[smem:$0x3F94] =	sst lr;
	_ =	strace $0xD0000000  }
0x3: {  	_ = 	snop  }
0x4: {  	_ = 	snop  }
0x5: {  	_ = 	snop  }
0x6: {  	_ = 	snop  }
0x7: {  	_ = 	snop  }
__scs_overlays_trampoline_lowered:
0x8: {  	[smem:$0x3FA3] =	sst s0  }
0x9: {  	[smem:$0x3FA4] =	sst s1  }
0xa: {  	[smem:$0x3FA5] =	sst s2  }
0xb: {  	[smem:$0x3FA6] =	sst s3  }
0xc: {  	[smem:$0x3FA7] =	sst s4  }
0xd: {  	[smem:$0x3FA8] =	sst s5  }
0xe: {  	[smem:$0x3FA9] =	sst s6  }
0xf: {  	[smem:$0x3FAA] =	sst s7  }
0x10: {  	[smem:$0x3FAB] =	sst s8  }
0x11: {  	[smem:$0x3FAC] =	sst s9;
	s0 =	simm.s32 @!p0 $0x0  }
0x12: {  	s1 =	sld [smem:$0x3F92];
	s0 =	simm.s32 @p0 $0x1  }
0x13: {  	[smem:$0x3FAD] =	sst s0;
	s0 =	simm.s32 @!p1 $0x0  }
0x14: {  	s2 =	sld [smem:$0x3F91];
	s0 =	simm.s32 @p1 $0x1  }
0x15: {  	[smem:$0x3FAE] =	sst s0;
	s0 =	simm.s32 @!p2 $0x0  }
0x16: {  	s3 =	sld [smem:$0x3FDB];
	s0 =	simm.s32 @p2 $0x1  }
0x17: {  	s4 =	simm.s32 $0x1BF5;
	[smem:$0x3FB0] =	sst s0  }
0x18: {  	s0 =	sld [smem:$0x3F93];
	_ =	swait.ge [sflag:s4], $0x0  }
0x19: {  	s7 =	sld [smem:$0x3F94]  }
0x1a: {  	s8 =	sadd.s32 $0xFFFFE003, lr  }
0x1b: {  	s9 =	sadd.s32 $0xFFFFFEF7, lr;
	s5 =	simm.s32 $0xFFFFFFFF;
	p2 =	slt.u32 s8, $0xFFFFF086  }
0x1c: {  	p1 =	slt.u32 s9, $0xF7A;
	s5 =	simm.s32 @!p2 $0x0  }
0x1d: {  	s5 =	simm.s32 @p1 $0x1;
	p0 =	seq.s32 s7, s2  }
0x1e: {  	s7 =	smul.u32 @!p0 $0xF7A, s2;
	p2 =	seq.s32 @!p0 s5, $0x0  }
0x1f: {  	s9 =	smul.u32 $0xF7A, s1;
	s8 =	simm.s32 @!p0 $0x1BF5;
	p2 =	por !p2, p0  }
0x20: {  	[sflag:s8] =	ssyncset.s32 @!p0 $0xFFFFF086;
	s6 =	sadd.s32 @!p0 s3, s7;
	s7 =	simm.s32 @!p0 $0x108  }
0x21: {  	s3 =	sadd.s32 s3, s9;
	s6 =	sadd.s32 @!p0 $0x88, s6;
	s7 =	simm.s32 @p2 $0x1082  }
0x22: {  	[simem:s7], [sflag:s8] =	dma.local @!p0 [hbm:s6], $0xF7A  }
0x23: {  	s9 =	sor.u32 $0xD0000000, s2;
	s6 =	simm.s32 $0x108;
	_ =	swait.ge @!p0 [sflag:s8], $0x0  }
0x24: {  	s3 =	sadd.s32 $0x88, s3;
	s6 =	simm.s32 @!p1 $0x1082;
	[sflag:s4] =	ssyncset.s32 $0xFFFFF086  }
0x25: {  	[simem:s6], [sflag:s4] =	dma.local [hbm:s3], $0xF7A  }
0x26: {  	[smem:$0x3F94] =	sst s1;
	(tag) =	ssettag s2;
	_ =	strace s9  }
0x27: {  	s1 =	sld [smem:$0x3FA4]  }
0x28: {  	s2 =	sld [smem:$0x3FA5]  }
0x29: {  	s4 =	sld [smem:$0x3FA7]  }
0x2a: {  	p0 =	seq.s32 s5, $0x0;
	s5 =	sld [smem:$0x3FA8]  }
0x2b: {  	s6 =	sld [smem:$0x3FA9]  }
0x2c: {  	s7 =	sld [smem:$0x3FAA]  }
0x2d: {  	s3 =	simm.s32 $0x108;
	s8 =	sld [smem:$0x3FAB]  }
0x2e: {  	s3 =	simm.s32 @!p0 $0x1082;
	s9 =	sld [smem:$0x3FAC]  }
0x2f: {  	lr =	sadd.s32 s0, s3;
	s0 =	sld [smem:$0x3FA3]  }
0x30: {  	s3 =	sld [smem:$0x3FA6]  }
0x31: {  	[smem:$0x3FAF] =	sst s10  }
0x32: {  	s10 =	sld [smem:$0x3FAD];
	_ =	sdelay $0x3  }
0x33: {  	p0 =	seq.s32 s10, $0x1;
	s10 =	sld [smem:$0x3FAF];
	_ =	sdelay $0x3  }
0x34: {  	[smem:$0x3FAF] =	sst s10  }
0x35: {  	s10 =	sld [smem:$0x3FAE];
	_ =	sdelay $0x3  }
0x36: {  	p1 =	seq.s32 s10, $0x1;
	s10 =	sld [smem:$0x3FAF];
	_ =	sdelay $0x3  }
0x37: {  	[smem:$0x3FAF] =	sst s10  }
0x38: {  	s10 =	sld [smem:$0x3FB0]  }
0x39: {  	_ = 	snop;
	(pc) =	sbr.ind lr, $3  }
0x3a: {  	_ = 	snop  }
0x3b: {  	_ = 	snop  }
0x3c: {  	p2 =	seq.s32 s10, $0x1;
	s10 =	sld [smem:$0x3FAF]  }
0x3d: {  	_ =	shalt  }
0x3e: {  	_ =	shalt  }
0x3f: {  	_ =	shalt  }
0x40: {  	_ =	shalt  }
0x41: {  	_ =	shalt  }
0x42: {  	_ =	shalt  }
0x43: {  	_ =	shalt  }
0x44: {  	_ =	shalt  }
0x45: {  	_ =	shalt  }
0x46: {  	_ =	shalt  }
0x47: {  	_ =	shalt  }
0x48: {  	_ =	shalt  }
0x49: {  	_ =	shalt  }
0x4a: {  	_ =	shalt  }
0x4b: {  	_ =	shalt  }
0x4c: {  	_ =	shalt  }
0x4d: {  	_ =	shalt  }
0x4e: {  	_ =	shalt  }
0x4f: {  	_ =	shalt  }
0x50: {  	_ =	shalt  }
0x51: {  	_ =	shalt  }
0x52: {  	_ =	shalt  }
0x53: {  	_ =	shalt  }
0x54: {  	_ =	shalt  }
0x55: {  	_ =	shalt  }
0x56: {  	_ =	shalt  }
0x57: {  	_ =	shalt  }
0x58: {  	_ =	shalt  }
0x59: {  	_ =	shalt  }
0x5a: {  	_ =	shalt  }
0x5b: {  	_ =	shalt  }
0x5c: {  	_ =	shalt  }
0x5d: {  	_ =	shalt  }
0x5e: {  	_ =	shalt  }
0x5f: {  	_ =	shalt  }
0x60: {  	_ =	shalt  }
0x61: {  	_ =	shalt  }
0x62: {  	_ =	shalt  }
0x63: {  	_ =	shalt  }
0x64: {  	_ =	shalt  }
0x65: {  	_ =	shalt  }
0x66: {  	_ =	shalt  }
0x67: {  	_ =	shalt  }
0x68: {  	_ =	shalt  }
0x69: {  	_ =	shalt  }
0x6a: {  	_ =	shalt  }
0x6b: {  	_ =	shalt  }
0x6c: {  	_ =	shalt  }
0x6d: {  	_ =	shalt  }
0x6e: {  	_ =	shalt  }
0x6f: {  	_ =	shalt  }
0x70: {  	_ =	shalt  }
0x71: {  	_ =	shalt  }
0x72: {  	_ =	shalt  }
0x73: {  	_ =	shalt  }
0x74: {  	_ =	shalt  }
0x75: {  	_ =	shalt  }
0x76: {  	_ =	shalt  }
0x77: {  	_ =	shalt  }
0x78: {  	_ =	shalt  }
0x79: {  	_ =	shalt  }
0x7a: {  	_ =	shalt  }
0x7b: {  	_ =	shalt  }
0x7c: {  	_ =	shalt  }
0x7d: {  	_ =	shalt  }
0x7e: {  	_ =	shalt  }
0x7f: {  	_ =	shalt  }
0x80: {  	_ =	shalt  }
0x81: {  	_ =	shalt  }
0x82: {  	_ =	shalt  }
0x83: {  	_ =	shalt  }
0x84: {  	_ =	shalt  }
0x85: {  	_ =	shalt  }
0x86: {  	_ =	shalt  }
0x87: {  	_ =	shalt  }
.Lfunc_end0:
.L_simem_size_0:
called_computation_lowered:
.L_overlay_start_0:
0x88: {  	s2 =	sld [smem:$0x3FD9]  }
0x89: {  	s3 =	sld [smem:$0x3FFE];
	_ =	sdelay $0x1  }
0x8a: {  	s1 =	srdreg.scid  }
0x8b: {  	s0 =	sand.u32 $0x1, s1  }
0x8c: {  	s17 =	sshll.u32 s0, $0xA;
	s2 =	sadd.s32 s3, s2  }
0x8d: {  	s2 =	sadd.s32 s2, s17  }
0x8e: {  	[smem:$0x3FBB] =	sst s2  }
0x8f: {  	_ = 	snop  }
0x90: {  	(tm) =	ssettm $0x1  }
0x91: {  	s18 =	sld [smem:$0x3FFB];
	_ =	sdelay $0x3  }
0x92: {  	_ =	strace s18  }
0x93: {  	s2 =	sld [smem:$0x3FFC];
	_ =	sdelay $0x3  }
0x94: {  	_ =	strace s2  }
0x95: {  	s2 =	sld [smem:$0x3FFD];
	_ =	sdelay $0x3  }
0x96: {  	_ =	strace s2  }
0x97: {  	_ =	strace $0x8FFFFFFF  }
0x98: {  	s19 =	sld [smem:$0x3FDB];
	_ =	sdelay $0x1  }
0x99: {  	s20 =	simm.s32 $_scs_section_size  }
0x9a: {  	s4 =	simm.s32 $_size__tile_overlayer_lowered;
	s5 =	simm.s32 $_tile_overlayer_lowered  }
0x9b: {  	s6 =	simm.s32 $0x1BFF;
	s21 =	sshll.u32 s5, $0x1;
	s3 =	sadd.s32 s20, s19  }
0x9c: {  	s22 =	simm.s32 $0x0;
	s4 =	sshll.u32 s4, $0x1;
	s5 =	sadd.s32 s21, s3  }
0x9d: {  	[timem:s22], [sflag:s6] =	dma.local [hbm:s5], s4  }
0x9e: {  	_ =	swait.ge [sflag:s6], s4  }
0x9f: {  	s4 =	ssub.s32 $0x0, s4;
	[sflag:s6] =	ssyncset.done $0x0  }
0xa0: {  	[sflag:s6] =	ssyncadd.s32 s4;
	_ =	sdelay $0x1  }
0xa1: {  	s23 =	simm.s32 $0x1B8B  }
0xa2: {  	_ =	swait.ge [sflag:s23], $0x1  }
0xa3: {  	[sflag:s23] =	ssyncset.done $0x0  }
0xa4: {  	[sflag:s23] =	ssyncadd.s32 $0xFFFFFFFF  }
0xa5: {  	s4 =	sld [smem:$0x0]  }
0xa6: {  	s5 =	sand.u32 $0xFFFFFFFE, s1  }
0xa7: {  	p0 =	sne.s32 s1, s5  }
0xa8: {  	s5 =	sshll.u32 @p0 s5, $0xE  }
0xa9: {  	s5 =	sadd.s32 @p0 $0x11B8D, s5;
	s6 =	sshll.u32 @p0 s4, $0x11  }
0xaa: {  	s5 =	sor.u32 @p0 s6, s5  }
0xab: {  	[sflag:s5] =	ssyncadd.remote.s32 @p0 $0x1;
	_ =	sdelay $0x1  }
0xac: {  	s5 =	simm.s32 @p0 $0x1B8D  }
0xad: {  	_ =	swait.eq @p0 [sflag:s5], $0x1  }
0xae: {  	[sflag:s5] =	ssyncadd.s32 @p0 $0xFFFFFFFF  }
0xaf: {  	s6 =	sshll.u32 @!p0 s1, $0xE  }
0xb0: {  	s6 =	sor.u32 @!p0 $0x4000, s6;
	s5 =	simm.s32 @!p0 $0x1B8D  }
0xb1: {  	s4 =	sshll.u32 @!p0 s4, $0x11;
	s6 =	sadd.s32 @!p0 $0x11B8D, s6;
	_ =	swait.eq @!p0 [sflag:s5], $0x1  }
0xb2: {  	s4 =	sor.u32 @!p0 s4, s6;
	[sflag:s5] =	ssyncadd.s32 @!p0 $0xFFFFFFFF  }
0xb3: {  	s25 =	simm.s32 $0x1B8E;
	s24 =	sld [smem:$0x3FFE];
	[sflag:s4] =	ssyncadd.remote.s32 @!p0 $0x1  }
0xb4: {  	s26 =	simm.s32 $execute0_lowered;
	[smem:$0x3FD2] =	sst s25  }
0xb5: {  	s5 =	sshll.u32 s26, $0x1;
	_ =	strace $0x80000049;
	[dreg:$0x1] =	wrdreg $0xFFFFFFFF  }
0xb6: {  	s28 =	simm.s32 $_size_execute0_lowered;
	s3 =	sadd.s32 s3, s5;
	[dreg:$0x0] =	wrdreg $0x0  }
0xb7: {  	s5 =	sshll.u32 s28, $0x1;
	[dreg:$0x2] =	wrdreg s3  }
0xb8: {  	[dreg:$0x3] =	wrdreg s5  }
0xb9: {  	[dreg:$0x4] =	wrdreg $0xC0  }
0xba: {  	_ =	task [dreg:s22], $0x5FFFF  }
0xbb: {  	[dreg:$0x1] =	wrdreg $0xFFFFFFFF  }
0xbc: {  	[dreg:$0x0] =	wrdreg $0x60  }
0xbd: {  	[dreg:$0x2] =	wrdreg s24  }
0xbe: {  	[dreg:$0x3] =	wrdreg $0x68000  }
0xbf: {  	[dreg:$0x4] =	wrdreg $0x9  }
0xc0: {  	_ =	task.clear_ibuf [dreg:s22], $0x5FFFF;
	_ =	strace $0x90000049  }
0xc1: {  	s29 =	simm.s32 $0x9;
	_ =	strace $0x8000004B  }
0xc2: {  	_ =	swait.ge [sflag:s29], $0x1  }
0xc3: {  	[sflag:s29] =	ssyncadd.s32 $0xFFFFFFFF  }
0xc4: {  	_ =	strace $0x9000004B  }
0xc5: {  	_ =	sfence  }
0xc6: {  	s30 =	sld [smem:$0x0];
	_ =	sdelay $0x2  }
0xc7: {  	s31 =	sshll.u32 s1, $0xD;
	s1 =	sshrl.u32 s1, $0x2  }
0xc8: {  	s4 =	sand.u32 $0x4000, s31;
	s1 =	sadd.s32 s1, s30  }
0xc9: {  	s0 =	sor.u32 s4, s0;
	s1 =	sshll.u32 s1, $0x11  }
0xca: {  	s0 =	sor.u32 s1, s0  }
0xcb: {  	s0 =	sadd.s32 $0x8F2B, s0  }
0xcc: {  	[sflag:s0] =	ssyncadd.remote.s32 $0x1  }
0xcd: {  	_ =	sfence.sel $0xFFFF  }
0xce: {  	[dreg:$0x0] =	wrdreg $0xFFFFFFFF;
	(pc) =	sbr.abs _section_cstart, $3  }
0xcf: {  	[dreg:$0x1] =	wrdreg $0xFFFFFFFF  }
0xd0: {  	_ =	task.clear_ibuf [dreg:s22], $0x2FFFF;
	_ =	strace $0x9FFFFFFF  }
0xd1: {  	(tm) =	ssettm $0x7FFFFFFF  }
tec
execute0_lowered:
.L_overlay_start_1:
0x0: {  	(tag) =	ssettag $0x1  }
0x1: {  	s4 =	rddreg [dreg:$0x0]  }
0x2: {  	s2 =	rddreg [dreg:$0x1];
	s3 =	srdreg.scid  }
0x3: {  	s0 =	rddreg [dreg:$0x2];
	s1 =	stileid.u32  }
0x4: {  	s12 =	simm.s32 $0x1;
	s13 =	simm.s32 $0x2800;
	s14 =	simm.s32 $0x80  }
0x5: {  	s17 =	simm.s32 $0x0;
	s5 =	sand.u32 $0x1, s3;
	s8 =	smul.u32 $0x14000, s1  }
0x6: {  	s3 =	simm.s32 $0x0;
	s6 =	sshll.u32 s1, $0x1;
	s30 =	smul.u32 $0x50000, s1  }
0x7: {  	s15 =	sshll.u32 s1, $0x6;
	s7 =	smul.u32 $0x140000, s5;
	[smem:$0x7FF] =	sst s3  }
0x8: {  	s6 =	sor.u32 s5, s6;
	s5 =	ssub.s32 $0x2, s5;
	s15 =	sor.u32 $0x1C01, s15  }
0x9: {  	_ =	strace $0x8000004A;
	s6 =	smul.u32 $0x500, s6;
	s9 =	sshrl.u32 s5, $0x1  }
0xa: {  	s31 =	sshrl.u32 s30, $0x2;
	s7 =	sadd.s32 s8, s7;
	s9 =	ssub.s32 s5, s9  }
0xb: {  	s5 =	sadd.s32 s31, s2;
	s6 =	sadd.s32 s6, s4;
	s7 =	sshrl.u32 s7, $0x3  }
0xc: {  	s8 =	sadd.s32 $0x4000, s5;
	s10 =	sadd.s32 $0xC000, s5;
	s11 =	sadd.s32 $0x10000, s5  }
0xd: {  	s16 =	sshrl.u32 s5, $0x3;
	s7 =	sadd.s32 s7, s4;
	s4 =	sadd.s32 $0x3800, s6  }
0xe: {  	v0 =	vimm.f32 $0.0e+00;
	v1 =	vimm.f32 $1.000000000e+00;
	s6 =	sadd.s32 $0xAD800, s7;
	s7 =	smax.u32 s9, $0x1;
	s9 =	sadd.s32 $0x8000, s5  }
.LBB2_1:
0xf: {  	[tilespmem:s3], [sflag:$0x1] =	stream.linear.gather [hbm4b:s4+s3], $0x2780, $0x38;
	[tilespmem:$0x1A800] =	vst v63  }
0x10: {  	_ =	swait.ge [sflag:s12], $0x2780  }
0x11: {  	[sflag:s12] =	ssyncset.done $0x0  }
0x12: {  	s18 =	simm.s32 $0x0;
	s19 =	simm.s32 $0x200;
	[sflag:s12] =	ssyncadd.s32 $0xFFFFD880  }
.LBB2_2:
0x13: {  	p0 =	sne.s32 s19, $0xFE00;
	[tilespmem:s18+$0x2870] =	vst v0  }
0x14: {  	[tilespmem:s18+$0x2800] =	vst v0  }
0x15: {  	[tilespmem:s18+$0x2810] =	vst v0  }
.Ltmp0:
0x16: {  	[tilespmem:s18+$0x2820] =	vst v0;
	(pc) =	sbr.rel @p0 .LBB2_2-.Ltmp0, $4  }
0x17: {  	[tilespmem:s18+$0x2830] =	vst v0  }
0x18: {  	[tilespmem:s18+$0x2840] =	vst v0  }
0x19: {  	[tilespmem:s18+$0x2850] =	vst v0  }
0x1a: {  	[tilespmem:s18+$0x2860] =	vst v0;
	s18 =	sshra.s32 s19, $0x2;
	s19 =	sadd.s32 $0x200, s19  }
0x1b: {  	[tilespmem:s18+$0x2870] =	vst v0  }
0x1c: {  	[tilespmem:s18+$0x2800] =	vst v0  }
0x1d: {  	[tilespmem:s18+$0x2810] =	vst v0  }
0x1e: {  	[tilespmem:s18+$0x2820] =	vst v0  }
0x1f: {  	[tilespmem:s18+$0x2830] =	vst v0  }
0x20: {  	[tilespmem:s18+$0x2840] =	vst v0  }
0x21: {  	[tilespmem:s18+$0x2850] =	vst v0  }
0x22: {  	[tilespmem:s18+$0x2860] =	vst v0  }
0x23: {  	[spmem:s5] =	stream.linear.scatter [tilespmem:s13], [sflag:$0x1], $0x4000, $0x38;
	[tilespmem:$0x1A800] =	vst v63  }
0x24: {  	_ =	swait.ge [sflag:s12], $0x4000  }
0x25: {  	[sflag:s12] =	ssyncset.done $0x0  }
0x26: {  	[sflag:s12] =	ssyncadd.s32 $0xFFFFC000  }
0x27: {  	[spmem:s8] =	stream.linear.scatter [tilespmem:s13], [sflag:$0x1], $0x4000, $0x38;
	[tilespmem:$0x1A800] =	vst v63  }
0x28: {  	_ =	swait.ge [sflag:s12], $0x4000  }
0x29: {  	[sflag:s12] =	ssyncset.done $0x0  }
0x2a: {  	[sflag:s12] =	ssyncadd.s32 $0xFFFFC000  }
0x2b: {  	[spmem:s9] =	stream.linear.scatter [tilespmem:s13], [sflag:$0x1], $0x4000, $0x38;
	[tilespmem:$0x1A800] =	vst v63  }
0x2c: {  	_ =	swait.ge [sflag:s12], $0x4000  }
0x2d: {  	[sflag:s12] =	ssyncset.done $0x0  }
0x2e: {  	[sflag:s12] =	ssyncadd.s32 $0xFFFFC000  }
0x2f: {  	[spmem:s10] =	stream.linear.scatter [tilespmem:s13], [sflag:$0x1], $0x4000, $0x38;
	[tilespmem:$0x1A800] =	vst v63  }
0x30: {  	_ =	swait.ge [sflag:s12], $0x4000  }
0x31: {  	[sflag:s12] =	ssyncset.done $0x0  }
0x32: {  	[sflag:s12] =	ssyncadd.s32 $0xFFFFC000  }
0x33: {  	[spmem:s11] =	stream.linear.scatter [tilespmem:s13], [sflag:$0x1], $0x4000, $0x38;
	[tilespmem:$0x1A800] =	vst v63  }
0x34: {  	_ =	swait.ge [sflag:s12], $0x4000  }
0x35: {  	[sflag:s12] =	ssyncset.done $0x0  }
0x36: {  	s18 =	simm.s32 $0x0;
	s19 =	simm.s32 $0x200;
	[sflag:s12] =	ssyncadd.s32 $0xFFFFC000  }
.LBB2_4:
0x37: {  	p0 =	sne.s32 s19, $0xFE00;
	[tilespmem:s18+$0x2870] =	vst v1  }
0x38: {  	[tilespmem:s18+$0x2800] =	vst v1  }
0x39: {  	[tilespmem:s18+$0x2810] =	vst v1  }
.Ltmp1:
0x3a: {  	[tilespmem:s18+$0x2820] =	vst v1;
	(pc) =	sbr.rel @p0 .LBB2_4-.Ltmp1, $4  }
0x3b: {  	[tilespmem:s18+$0x2830] =	vst v1  }
0x3c: {  	[tilespmem:s18+$0x2840] =	vst v1  }
0x3d: {  	[tilespmem:s18+$0x2850] =	vst v1  }
0x3e: {  	[tilespmem:s18+$0x2860] =	vst v1;
	s18 =	sshra.s32 s19, $0x2;
	s19 =	sadd.s32 $0x200, s19  }
0x3f: {  	[tilespmem:s18+$0x2870] =	vst v1  }
0x40: {  	[tilespmem:s18+$0x2800] =	vst v1  }
0x41: {  	[tilespmem:s18+$0x2810] =	vst v1  }
0x42: {  	[tilespmem:s18+$0x2820] =	vst v1  }
0x43: {  	[tilespmem:s18+$0x2830] =	vst v1  }
0x44: {  	[tilespmem:s18+$0x2840] =	vst v1  }
0x45: {  	[tilespmem:s18+$0x2850] =	vst v1  }
0x46: {  	[tilespmem:s18+$0x2860] =	vst v1  }
0x47: {  	s31 =	simm.s32 $0x0;
	[bflag:$0x0] =	sbarrier.arrive $0xFFFF  }
0x48: {  	[spmem:s2] =	stream.indirect.scatter.add.f32 [tilespmem:s13], [sflag:$0x1], $0x80, s31, s14, $0xb8;
	[tilespmem:$0x1A800] =	vst v63  }
0x49: {  	_ =	swait.ge [sflag:s12], $0x4000  }
0x4a: {  	s18 =	simm.s32 $0x200;
	[sflag:s12] =	ssyncset.done $0x0  }
.LBB2_6:
0x4b: {  	s19 =	sshra.s32 s18, $0x2;
	[sflag:s12] =	ssyncadd.s32 $0xFFFFC000;
	p0 =	sne.s32 s18, $0x9C00  }
0x4c: {  	[spmem:s2] =	stream.indirect.scatter.add.f32 [tilespmem:s13], [sflag:$0x1], $0x80, s19, s14, $0xb8;
	[tilespmem:$0x1A800] =	vst v63  }
.Ltmp2:
0x4d: {  	_ = 	snop;
	(pc) =	sbr.rel @p0 .LBB2_6-.Ltmp2, $4  }
0x4e: {  	_ = 	snop  }
0x4f: {  	s18 =	sadd.s32 $0x200, s18  }
0x50: {  	_ =	swait.ge [sflag:s12], $0x4000  }
0x51: {  	[sflag:s12] =	ssyncset.done $0x0  }
0x52: {  	s17 =	sadd.s32 $0x1, s17  }
0x53: {  	[sflag:s12] =	ssyncadd.s32 $0xFFFFC000;
	p0 =	sne.s32 s17, s7  }
.Ltmp3:
0x54: {  	[bflag:$0x0] =	sbarrier.arrive $0xFFFF;
	(pc) =	sbr.rel @p0 .LBB2_1-.Ltmp3, $4  }
0x55: {  	[hbm:s6], [sflag:s15] =	dma.local [spmem:s16], $0x2800  }
0x56: {  	_ =	swait.ge [sflag:s12], $0x2800  }
0x57: {  	[sflag:s12] =	ssyncset.done $0x0  }
0x58: {  	[sflag:s12] =	ssyncadd.s32 $0xFFFFD800  }
0x59: {  	_ =	sfence.sel $0x180000  }
0x5a: {  	[bflag:$0x0] =	sbarrier.arrive $0xFFFF  }
0x5b: {  	p0 =	sne.s32 s1, $0x0;
	_ =	strace $0x9000004A  }
0x5c: {  	s0 =	sadd.s32 @!p0 $0x100000, s0;
	[bflag:$0x2] =	sbarrier.arrive $0xFFFF  }
0x5d: {  	[sflag:s0] =	ssyncadd.tile.s32 @!p0 $0x1;
	_ =	shalt  }
.Lfunc_end2:
_tile_overlayer_lowered:
.L_overlay_start_2:
0x5e: {  	(tag) =	ssettag $0x2  }
0x5f: {  	s0 =	rddreg [dreg:$0x0];
	s2 =	stileid.u32  }
0x60: {  	s1 =	rddreg [dreg:$0x1];
	p0 =	sne.s32 s2, $0x0  }
0x61: {  	s3 =	rddreg [dreg:$0x2];
	[bflag:$0x3] =	sbarrier.arrive $0xFFFF;
	s2 =	simm.s32 @!p0 $0x1C01  }
0x62: {  	[timem:s3], [sflag:s2] =	dma.local @!p0 [hbm:s0], s1  }
0x63: {  	s0 =	simm.s32 @!p0 $0x1  }
0x64: {  	_ =	swait.ge @!p0 [sflag:s0], s1  }
0x65: {  	s1 =	ssub.s32 @!p0 $0x0, s1;
	[sflag:s0] =	ssyncset.done @!p0 $0x0  }
0x66: {  	[sflag:s0] =	ssyncadd.s32 @!p0 s1  }
0x67: {  	[bflag:$0x3] =	sbarrier.arrive $0xFFFF  }
0x68: {  	_ =	shalt  }

// kernel: kernel.13.cloned.1.call-start
scs
__scs_entry_jumppad:
0x0: {  	(pc) =	sbr.rel $0x88, $3  }
0x1: {  	(tag) =	ssettag $0x0;
	lr =	simm.s32 $0x1  }
0x2: {  	[smem:$0x3F94] =	sst lr;
	_ =	strace $0xD0000000  }
0x3: {  	_ = 	snop  }
0x4: {  	_ = 	snop  }
0x5: {  	_ = 	snop  }
0x6: {  	_ = 	snop  }
0x7: {  	_ = 	snop  }
__scs_overlays_trampoline_lowered:
0x8: {  	[smem:$0x3FA3] =	sst s0  }
0x9: {  	[smem:$0x3FA4] =	sst s1  }
0xa: {  	[smem:$0x3FA5] =	sst s2  }
0xb: {  	[smem:$0x3FA6] =	sst s3  }
0xc: {  	[smem:$0x3FA7] =	sst s4  }
0xd: {  	[smem:$0x3FA8] =	sst s5  }
0xe: {  	[smem:$0x3FA9] =	sst s6  }
0xf: {  	[smem:$0x3FAA] =	sst s7  }
0x10: {  	[smem:$0x3FAB] =	sst s8  }
0x11: {  	[smem:$0x3FAC] =	sst s9;
	s0 =	simm.s32 @!p0 $0x0  }
0x12: {  	s1 =	sld [smem:$0x3F92];
	s0 =	simm.s32 @p0 $0x1  }
0x13: {  	[smem:$0x3FAD] =	sst s0;
	s0 =	simm.s32 @!p1 $0x0  }
0x14: {  	s2 =	sld [smem:$0x3F91];
	s0 =	simm.s32 @p1 $0x1  }
0x15: {  	[smem:$0x3FAE] =	sst s0;
	s0 =	simm.s32 @!p2 $0x0  }
0x16: {  	s3 =	sld [smem:$0x3FDB];
	s0 =	simm.s32 @p2 $0x1  }
0x17: {  	s4 =	simm.s32 $0x1BF5;
	[smem:$0x3FB0] =	sst s0  }
0x18: {  	s0 =	sld [smem:$0x3F93];
	_ =	swait.ge [sflag:s4], $0x0  }
0x19: {  	s7 =	sld [smem:$0x3F94]  }
0x1a: {  	s8 =	sadd.s32 $0xFFFFE003, lr  }
0x1b: {  	s9 =	sadd.s32 $0xFFFFFEF7, lr;
	s5 =	simm.s32 $0xFFFFFFFF;
	p2 =	slt.u32 s8, $0xFFFFF086  }
0x1c: {  	p1 =	slt.u32 s9, $0xF7A;
	s5 =	simm.s32 @!p2 $0x0  }
0x1d: {  	s5 =	simm.s32 @p1 $0x1;
	p0 =	seq.s32 s7, s2  }
0x1e: {  	s7 =	smul.u32 @!p0 $0xF7A, s2;
	p2 =	seq.s32 @!p0 s5, $0x0  }
0x1f: {  	s9 =	smul.u32 $0xF7A, s1;
	s8 =	simm.s32 @!p0 $0x1BF5;
	p2 =	por !p2, p0  }
0x20: {  	[sflag:s8] =	ssyncset.s32 @!p0 $0xFFFFF086;
	s6 =	sadd.s32 @!p0 s3, s7;
	s7 =	simm.s32 @!p0 $0x108  }
0x21: {  	s3 =	sadd.s32 s3, s9;
	s6 =	sadd.s32 @!p0 $0x88, s6;
	s7 =	simm.s32 @p2 $0x1082  }
0x22: {  	[simem:s7], [sflag:s8] =	dma.local @!p0 [hbm:s6], $0xF7A  }
0x23: {  	s9 =	sor.u32 $0xD0000000, s2;
	s6 =	simm.s32 $0x108;
	_ =	swait.ge @!p0 [sflag:s8], $0x0  }
0x24: {  	s3 =	sadd.s32 $0x88, s3;
	s6 =	simm.s32 @!p1 $0x1082;
	[sflag:s4] =	ssyncset.s32 $0xFFFFF086  }
0x25: {  	[simem:s6], [sflag:s4] =	dma.local [hbm:s3], $0xF7A  }
0x26: {  	[smem:$0x3F94] =	sst s1;
	(tag) =	ssettag s2;
	_ =	strace s9  }
0x27: {  	s1 =	sld [smem:$0x3FA4]  }
0x28: {  	s2 =	sld [smem:$0x3FA5]  }
0x29: {  	s4 =	sld [smem:$0x3FA7]  }
0x2a: {  	p0 =	seq.s32 s5, $0x0;
	s5 =	sld [smem:$0x3FA8]  }
0x2b: {  	s6 =	sld [smem:$0x3FA9]  }
0x2c: {  	s7 =	sld [smem:$0x3FAA]  }
0x2d: {  	s3 =	simm.s32 $0x108;
	s8 =	sld [smem:$0x3FAB]  }
0x2e: {  	s3 =	simm.s32 @!p0 $0x1082;
	s9 =	sld [smem:$0x3FAC]  }
0x2f: {  	lr =	sadd.s32 s0, s3;
	s0 =	sld [smem:$0x3FA3]  }
0x30: {  	s3 =	sld [smem:$0x3FA6]  }
0x31: {  	[smem:$0x3FAF] =	sst s10  }
0x32: {  	s10 =	sld [smem:$0x3FAD];
	_ =	sdelay $0x3  }
0x33: {  	p0 =	seq.s32 s10, $0x1;
	s10 =	sld [smem:$0x3FAF];
	_ =	sdelay $0x3  }
0x34: {  	[smem:$0x3FAF] =	sst s10  }
0x35: {  	s10 =	sld [smem:$0x3FAE];
	_ =	sdelay $0x3  }
0x36: {  	p1 =	seq.s32 s10, $0x1;
	s10 =	sld [smem:$0x3FAF];
	_ =	sdelay $0x3  }
0x37: {  	[smem:$0x3FAF] =	sst s10  }
0x38: {  	s10 =	sld [smem:$0x3FB0]  }
0x39: {  	_ = 	snop;
	(pc) =	sbr.ind lr, $3  }
0x3a: {  	_ = 	snop  }
0x3b: {  	_ = 	snop  }
0x3c: {  	p2 =	seq.s32 s10, $0x1;
	s10 =	sld [smem:$0x3FAF]  }
0x3d: {  	_ =	shalt  }
0x3e: {  	_ =	shalt  }
0x3f: {  	_ =	shalt  }
0x40: {  	_ =	shalt  }
0x41: {  	_ =	shalt  }
0x42: {  	_ =	shalt  }
0x43: {  	_ =	shalt  }
0x44: {  	_ =	shalt  }
0x45: {  	_ =	shalt  }
0x46: {  	_ =	shalt  }
0x47: {  	_ =	shalt  }
0x48: {  	_ =	shalt  }
0x49: {  	_ =	shalt  }
0x4a: {  	_ =	shalt  }
0x4b: {  	_ =	shalt  }
0x4c: {  	_ =	shalt  }
0x4d: {  	_ =	shalt  }
0x4e: {  	_ =	shalt  }
0x4f: {  	_ =	shalt  }
0x50: {  	_ =	shalt  }
0x51: {  	_ =	shalt  }
0x52: {  	_ =	shalt  }
0x53: {  	_ =	shalt  }
0x54: {  	_ =	shalt  }
0x55: {  	_ =	shalt  }
0x56: {  	_ =	shalt  }
0x57: {  	_ =	shalt  }
0x58: {  	_ =	shalt  }
0x59: {  	_ =	shalt  }
0x5a: {  	_ =	shalt  }
0x5b: {  	_ =	shalt  }
0x5c: {  	_ =	shalt  }
0x5d: {  	_ =	shalt  }
0x5e: {  	_ =	shalt  }
0x5f: {  	_ =	shalt  }
0x60: {  	_ =	shalt  }
0x61: {  	_ =	shalt  }
0x62: {  	_ =	shalt  }
0x63: {  	_ =	shalt  }
0x64: {  	_ =	shalt  }
0x65: {  	_ =	shalt  }
0x66: {  	_ =	shalt  }
0x67: {  	_ =	shalt  }
0x68: {  	_ =	shalt  }
0x69: {  	_ =	shalt  }
0x6a: {  	_ =	shalt  }
0x6b: {  	_ =	shalt  }
0x6c: {  	_ =	shalt  }
0x6d: {  	_ =	shalt  }
0x6e: {  	_ =	shalt  }
0x6f: {  	_ =	shalt  }
0x70: {  	_ =	shalt  }
0x71: {  	_ =	shalt  }
0x72: {  	_ =	shalt  }
0x73: {  	_ =	shalt  }
0x74: {  	_ =	shalt  }
0x75: {  	_ =	shalt  }
0x76: {  	_ =	shalt  }
0x77: {  	_ =	shalt  }
0x78: {  	_ =	shalt  }
0x79: {  	_ =	shalt  }
0x7a: {  	_ =	shalt  }
0x7b: {  	_ =	shalt  }
0x7c: {  	_ =	shalt  }
0x7d: {  	_ =	shalt  }
0x7e: {  	_ =	shalt  }
0x7f: {  	_ =	shalt  }
0x80: {  	_ =	shalt  }
0x81: {  	_ =	shalt  }
0x82: {  	_ =	shalt  }
0x83: {  	_ =	shalt  }
0x84: {  	_ =	shalt  }
0x85: {  	_ =	shalt  }
0x86: {  	_ =	shalt  }
0x87: {  	_ =	shalt  }
.Lfunc_end0:
.L_simem_size_0:
called_computation.1_lowered:
.L_overlay_start_0:
0x88: {  	s2 =	sld [smem:$0x3FD9]  }
0x89: {  	s3 =	sld [smem:$0x3FFE];
	_ =	sdelay $0x1  }
0x8a: {  	s1 =	srdreg.scid  }
0x8b: {  	s0 =	sand.u32 $0x1, s1  }
0x8c: {  	s17 =	sshll.u32 s0, $0xA;
	s2 =	sadd.s32 s3, s2  }
0x8d: {  	s2 =	sadd.s32 s2, s17  }
0x8e: {  	[smem:$0x3FBB] =	sst s2  }
0x8f: {  	_ = 	snop  }
0x90: {  	s2 =	sld [smem:$0x3FD0];
	(tm) =	ssettm $0x1  }
0x91: {  	s18 =	sld [smem:$0x3FFB];
	_ =	sdelay $0x3  }
0x92: {  	_ =	strace s18  }
0x93: {  	s3 =	sld [smem:$0x3FFC];
	_ =	sdelay $0x3  }
0x94: {  	_ =	strace s3  }
0x95: {  	s3 =	sld [smem:$0x3FFD];
	_ =	sdelay $0x3  }
0x96: {  	_ =	strace s3  }
0x97: {  	_ =	strace $0x8FFFFFFF  }
0x98: {  	s19 =	sld [smem:$0x3FDB];
	_ =	sdelay $0x1  }
0x99: {  	s4 =	simm.s32 $_scs_section_size  }
0x9a: {  	s5 =	simm.s32 $_size__tile_overlayer_lowered;
	s6 =	simm.s32 $_tile_overlayer_lowered  }
0x9b: {  	s22 =	simm.s32 $0x1BFF;
	s21 =	sshll.u32 s6, $0x1;
	s3 =	sadd.s32 s4, s19  }
0x9c: {  	s7 =	simm.s32 $0x0;
	s20 =	sshll.u32 s5, $0x1;
	s5 =	sadd.s32 s21, s3  }
0x9d: {  	[timem:s7], [sflag:s22] =	dma.local [hbm:s5], s20  }
0x9e: {  	_ =	swait.ge [sflag:s22], s20  }
0x9f: {  	s4 =	ssub.s32 $0x0, s20;
	[sflag:s22] =	ssyncset.done $0x0  }
0xa0: {  	[sflag:s22] =	ssyncadd.s32 s4;
	_ =	sdelay $0x1  }
0xa1: {  	s23 =	simm.s32 $0x1B8B  }
0xa2: {  	_ =	swait.ge [sflag:s23], $0x1  }
0xa3: {  	[sflag:s23] =	ssyncset.done $0x0  }
0xa4: {  	s25 =	simm.s32 $0x1B8E;
	s24 =	sld [smem:$0x3FFE];
	[sflag:s23] =	ssyncadd.s32 $0xFFFFFFFF  }
0xa5: {  	s26 =	simm.s32 $execute0_lowered;
	[smem:$0x3FD2] =	sst s25  }
0xa6: {  	s5 =	sshll.u32 s26, $0x1;
	_ =	strace $0x80000046;
	[dreg:$0x1] =	wrdreg $0xFFFFFFFF  }
0xa7: {  	s28 =	simm.s32 $_size_execute0_lowered;
	s3 =	sadd.s32 s3, s5;
	[dreg:$0x0] =	wrdreg $0x0  }
0xa8: {  	s5 =	sshll.u32 s28, $0x1;
	[dreg:$0x2] =	wrdreg s3  }
0xa9: {  	[dreg:$0x3] =	wrdreg s5  }
0xaa: {  	[dreg:$0x4] =	wrdreg $0xC0  }
0xab: {  	_ =	task [dreg:s7], $0x5FFFF  }
0xac: {  	[dreg:$0x1] =	wrdreg $0xFFFFFFFF  }
0xad: {  	[dreg:$0x0] =	wrdreg $0x60  }
0xae: {  	[dreg:$0x2] =	wrdreg s24  }
0xaf: {  	[dreg:$0x3] =	wrdreg s2  }
0xb0: {  	[dreg:$0x4] =	wrdreg $0x90000  }
0xb1: {  	[dreg:$0x5] =	wrdreg $0xA  }
0xb2: {  	_ =	task.clear_ibuf [dreg:s7], $0x6FFFF;
	_ =	strace $0x90000046  }
0xb3: {  	s29 =	simm.s32 $0xA;
	_ =	strace $0x80000048  }
0xb4: {  	_ =	swait.ge [sflag:s29], $0x1  }
0xb5: {  	[sflag:s29] =	ssyncadd.s32 $0xFFFFFFFF  }
0xb6: {  	_ =	strace $0x90000048  }
0xb7: {  	_ =	sfence  }
0xb8: {  	s30 =	sld [smem:$0x0];
	_ =	sdelay $0x2  }
0xb9: {  	s31 =	sshll.u32 s1, $0xD;
	s1 =	sshrl.u32 s1, $0x2  }
0xba: {  	s3 =	sand.u32 $0x4000, s31;
	s1 =	sadd.s32 s1, s30  }
0xbb: {  	s0 =	sor.u32 s3, s0;
	s1 =	sshll.u32 s1, $0x11  }
0xbc: {  	s0 =	sor.u32 s1, s0  }
0xbd: {  	s0 =	sadd.s32 $0x8F2B, s0  }
0xbe: {  	[sflag:s0] =	ssyncadd.remote.s32 $0x1  }
0xbf: {  	_ =	sfence.sel $0xFFFF  }
0xc0: {  	[dreg:$0x0] =	wrdreg $0xFFFFFFFF;
	(pc) =	sbr.abs _section_cstart, $3  }
0xc1: {  	[dreg:$0x1] =	wrdreg $0xFFFFFFFF  }
0xc2: {  	_ =	task.clear_ibuf [dreg:s7], $0x2FFFF;
	_ =	strace $0x9FFFFFFF  }
0xc3: {  	(tm) =	ssettm $0x7FFFFFFF  }
tec
execute0_lowered:
.L_overlay_start_1:
0x0: {  	(tag) =	ssettag $0x1  }
0x1: {  	s5 =	rddreg [dreg:$0x0]  }
0x2: {  	s6 =	rddreg [dreg:$0x1]  }
0x3: {  	s1 =	rddreg [dreg:$0x2]  }
0x4: {  	s2 =	srdreg.scid;
	s0 =	rddreg [dreg:$0x3];
	s3 =	simm.s32 $0x0  }
0x5: {  	s14 =	simm.s32 $0x1;
	s15 =	simm.s32 $0x2800;
	s16 =	simm.s32 $0x5000  }
0x6: {  	s17 =	simm.s32 $0x80;
	s7 =	sand.u32 $0x1, s2;
	s2 =	stileid.u32  }
0x7: {  	s20 =	simm.s32 $0x0;
	[smem:$0x7FF] =	sst s3;
	s8 =	smul.u32 $0x140000, s7  }
0x8: {  	s4 =	sadd.s32 $0xD800, s5;
	s9 =	sshll.u32 s2, $0x1;
	s10 =	smul.u32 $0x14000, s2  }
0x9: {  	_ =	strace $0x80000047;
	s11 =	smul.u32 $0x50000, s2;
	s18 =	sshll.u32 s2, $0x6  }
0xa: {  	s9 =	sor.u32 s7, s9;
	s7 =	ssub.s32 $0x2, s7;
	s18 =	sor.u32 $0x1C01, s18  }
0xb: {  	s9 =	smul.u32 $0x500, s9;
	s8 =	sadd.s32 s10, s8;
	s30 =	sshrl.u32 s7, $0x1  }
0xc: {  	s31 =	sshrl.u32 s11, $0x2;
	s8 =	sshrl.u32 s8, $0x3;
	s10 =	ssub.s32 s7, s30  }
0xd: {  	s7 =	sadd.s32 s31, s1;
	s12 =	sadd.s32 s9, s5;
	s8 =	sadd.s32 s8, s5  }
0xe: {  	s5 =	sadd.s32 s6, s9;
	s9 =	smax.u32 s10, $0x1;
	s10 =	sadd.s32 $0x4000, s7  }
0xf: {  	s11 =	sadd.s32 $0x8000, s7;
	s13 =	sadd.s32 $0x10000, s7;
	s19 =	sshrl.u32 s7, $0x3  }
0x10: {  	v0 =	vimm.f32 $0.0e+00;
	s6 =	sadd.s32 $0x3800, s12;
	s8 =	sadd.s32 $0x5D800, s8;
	s12 =	sadd.s32 $0xC000, s7  }
.LBB2_1:
0x11: {  	[tilespmem:s3], [sflag:$0x1] =	stream.linear.gather [hbm4b:s5+s3], $0x2780, $0x38;
	[tilespmem:$0x1D000] =	vst v63  }
0x12: {  	_ =	swait.ge [sflag:s14], $0x2780  }
0x13: {  	[sflag:s14] =	ssyncset.done $0x0  }
0x14: {  	[sflag:s14] =	ssyncadd.s32 $0xFFFFD880  }
0x15: {  	[tilespmem:s15], [sflag:$0x1] =	stream.linear.gather [hbm4b:s6+s3], $0x2780, $0x38;
	[tilespmem:$0x1D000] =	vst v63  }
0x16: {  	_ =	swait.ge [sflag:s14], $0x2780  }
0x17: {  	[sflag:s14] =	ssyncset.done $0x0  }
0x18: {  	s21 =	simm.s32 $0x0;
	s22 =	simm.s32 $0x200;
	[sflag:s14] =	ssyncadd.s32 $0xFFFFD880  }
.LBB2_2:
0x19: {  	p0 =	sne.s32 s22, $0xFE00;
	[tilespmem:s21+$0x5070] =	vst v0  }
0x1a: {  	[tilespmem:s21+$0x5000] =	vst v0  }
0x1b: {  	[tilespmem:s21+$0x5010] =	vst v0  }
.Ltmp0:
0x1c: {  	[tilespmem:s21+$0x5020] =	vst v0;
	(pc) =	sbr.rel @p0 .LBB2_2-.Ltmp0, $4  }
0x1d: {  	[tilespmem:s21+$0x5030] =	vst v0  }
0x1e: {  	[tilespmem:s21+$0x5040] =	vst v0  }
0x1f: {  	[tilespmem:s21+$0x5050] =	vst v0  }
0x20: {  	[tilespmem:s21+$0x5060] =	vst v0;
	s21 =	sshra.s32 s22, $0x2;
	s22 =	sadd.s32 $0x200, s22  }
0x21: {  	[tilespmem:s21+$0x5070] =	vst v0  }
0x22: {  	[tilespmem:s21+$0x5000] =	vst v0  }
0x23: {  	[tilespmem:s21+$0x5010] =	vst v0  }
0x24: {  	[tilespmem:s21+$0x5020] =	vst v0  }
0x25: {  	[tilespmem:s21+$0x5030] =	vst v0  }
0x26: {  	[tilespmem:s21+$0x5040] =	vst v0  }
0x27: {  	[tilespmem:s21+$0x5050] =	vst v0  }
0x28: {  	[tilespmem:s21+$0x5060] =	vst v0  }
0x29: {  	[spmem:s7] =	stream.linear.scatter [tilespmem:s16], [sflag:$0x1], $0x4000, $0x38;
	[tilespmem:$0x1D000] =	vst v63  }
0x2a: {  	_ =	swait.ge [sflag:s14], $0x4000  }
0x2b: {  	[sflag:s14] =	ssyncset.done $0x0  }
0x2c: {  	[sflag:s14] =	ssyncadd.s32 $0xFFFFC000  }
0x2d: {  	[spmem:s10] =	stream.linear.scatter [tilespmem:s16], [sflag:$0x1], $0x4000, $0x38;
	[tilespmem:$0x1D000] =	vst v63  }
0x2e: {  	_ =	swait.ge [sflag:s14], $0x4000  }
0x2f: {  	[sflag:s14] =	ssyncset.done $0x0  }
0x30: {  	[sflag:s14] =	ssyncadd.s32 $0xFFFFC000  }
0x31: {  	[spmem:s11] =	stream.linear.scatter [tilespmem:s16], [sflag:$0x1], $0x4000, $0x38;
	[tilespmem:$0x1D000] =	vst v63  }
0x32: {  	_ =	swait.ge [sflag:s14], $0x4000  }
0x33: {  	[sflag:s14] =	ssyncset.done $0x0  }
0x34: {  	[sflag:s14] =	ssyncadd.s32 $0xFFFFC000  }
0x35: {  	[spmem:s12] =	stream.linear.scatter [tilespmem:s16], [sflag:$0x1], $0x4000, $0x38;
	[tilespmem:$0x1D000] =	vst v63  }
0x36: {  	_ =	swait.ge [sflag:s14], $0x4000  }
0x37: {  	[sflag:s14] =	ssyncset.done $0x0  }
0x38: {  	[sflag:s14] =	ssyncadd.s32 $0xFFFFC000  }
0x39: {  	[spmem:s13] =	stream.linear.scatter [tilespmem:s16], [sflag:$0x1], $0x4000, $0x38;
	[tilespmem:$0x1D000] =	vst v63  }
0x3a: {  	_ =	swait.ge [sflag:s14], $0x4000  }
0x3b: {  	[sflag:s14] =	ssyncset.done $0x0  }
0x3c: {  	[sflag:s14] =	ssyncadd.s32 $0xFFFFC000  }
0x3d: {  	s30 =	simm.s32 $0x0;
	[bflag:$0x0] =	sbarrier.arrive $0xFFFF  }
0x3e: {  	[tilespmem:s16], [sflag:$0x1] =	stream.indirect.gather [hbm4b:s4+s17], $0x80, s30, s17, $0xb8;
	[tilespmem:$0x1D000] =	vst v63  }
0x3f: {  	_ =	swait.ge [sflag:s14], $0x4000  }
0x40: {  	[sflag:s14] =	ssyncset.done $0x0  }
0x41: {  	s31 =	simm.s32 $0x2800;
	[sflag:s14] =	ssyncadd.s32 $0xFFFFC000  }
0x42: {  	[spmem:s1] =	stream.indirect.scatter.add.f32 [tilespmem:s16], [sflag:$0x1], $0x80, s31, s17, $0xb8;
	[tilespmem:$0x1D000] =	vst v63  }
0x43: {  	_ =	swait.ge [sflag:s14], $0x4000  }
0x44: {  	s21 =	simm.s32 $0x200;
	s22 =	simm.s32 $0x400;
	[sflag:s14] =	ssyncset.done $0x0  }
.LBB2_4:
0x45: {  	s23 =	sshra.s32 s21, $0x2  }
0x46: {  	[sflag:s14] =	ssyncadd.s32 $0xFFFFC000;
	s21 =	smov.u32 s22;
	s24 =	sadd.s32 $0x200, s22  }
0x47: {  	[tilespmem:s16], [sflag:$0x1] =	stream.indirect.gather [hbm4b:s4+s17], $0x80, s23, s17, $0xb8;
	[tilespmem:$0x1D000] =	vst v63  }
0x48: {  	p0 =	sne.s32 s22, $0x9C00;
	_ =	swait.ge [sflag:s14], $0x4000  }
.Ltmp1:
0x49: {  	[sflag:s14] =	ssyncset.done $0x0;
	(pc) =	sbr.rel @p0 .LBB2_4-.Ltmp1, $4  }
0x4a: {  	s22 =	sadd.s32 $0x2800, s23;
	[sflag:s14] =	ssyncadd.s32 $0xFFFFC000  }
0x4b: {  	[spmem:s1] =	stream.indirect.scatter.add.f32 [tilespmem:s16], [sflag:$0x1], $0x80, s22, s17, $0xb8;
	[tilespmem:$0x1D000] =	vst v63  }
0x4c: {  	_ =	swait.ge [sflag:s14], $0x4000  }
0x4d: {  	s22 =	smov.u32 s24;
	[sflag:s14] =	ssyncset.done $0x0  }
0x4e: {  	s21 =	sshra.s32 s21, $0x2;
	[sflag:s14] =	ssyncadd.s32 $0xFFFFC000  }
0x4f: {  	[tilespmem:s16], [sflag:$0x1] =	stream.indirect.gather [hbm4b:s4+s17], $0x80, s21, s17, $0xb8;
	[tilespmem:$0x1D000] =	vst v63  }
0x50: {  	_ =	swait.ge [sflag:s14], $0x4000  }
0x51: {  	[sflag:s14] =	ssyncset.done $0x0  }
0x52: {  	s21 =	sadd.s32 $0x2800, s21;
	[sflag:s14] =	ssyncadd.s32 $0xFFFFC000  }
0x53: {  	[spmem:s1] =	stream.indirect.scatter.add.f32 [tilespmem:s16], [sflag:$0x1], $0x80, s21, s17, $0xb8;
	[tilespmem:$0x1D000] =	vst v63  }
0x54: {  	_ =	swait.ge [sflag:s14], $0x4000  }
0x55: {  	s20 =	sadd.s32 $0x1, s20;
	[sflag:s14] =	ssyncset.done $0x0  }
0x56: {  	p0 =	sne.s32 s20, s9;
	[sflag:s14] =	ssyncadd.s32 $0xFFFFC000  }
.Ltmp2:
0x57: {  	[bflag:$0x0] =	sbarrier.arrive $0xFFFF;
	(pc) =	sbr.rel @p0 .LBB2_1-.Ltmp2, $4  }
0x58: {  	[hbm:s8], [sflag:s18] =	dma.local [spmem:s19], $0x2800  }
0x59: {  	_ =	swait.ge [sflag:s14], $0x2800  }
0x5a: {  	[sflag:s14] =	ssyncset.done $0x0  }
0x5b: {  	[sflag:s14] =	ssyncadd.s32 $0xFFFFD800  }
0x5c: {  	_ =	sfence.sel $0x180000  }
0x5d: {  	[bflag:$0x0] =	sbarrier.arrive $0xFFFF  }
0x5e: {  	p0 =	sne.s32 s2, $0x0;
	_ =	strace $0x90000047  }
0x5f: {  	s0 =	sadd.s32 @!p0 $0x100000, s0;
	[bflag:$0x2] =	sbarrier.arrive $0xFFFF  }
0x60: {  	[sflag:s0] =	ssyncadd.tile.s32 @!p0 $0x1;
	_ =	shalt  }
.Lfunc_end2:
_tile_overlayer_lowered:
.L_overlay_start_2:
0x61: {  	(tag) =	ssettag $0x2  }
0x62: {  	s0 =	rddreg [dreg:$0x0];
	s2 =	stileid.u32  }
0x63: {  	s1 =	rddreg [dreg:$0x1];
	p0 =	sne.s32 s2, $0x0  }
0x64: {  	s3 =	rddreg [dreg:$0x2];
	[bflag:$0x3] =	sbarrier.arrive $0xFFFF;
	s2 =	simm.s32 @!p0 $0x1C01  }
0x65: {  	[timem:s3], [sflag:s2] =	dma.local @!p0 [hbm:s0], s1  }
0x66: {  	s0 =	simm.s32 @!p0 $0x1  }
0x67: {  	_ =	swait.ge @!p0 [sflag:s0], s1  }
0x68: {  	s1 =	ssub.s32 @!p0 $0x0, s1;
	[sflag:s0] =	ssyncset.done @!p0 $0x0  }
0x69: {  	[sflag:s0] =	ssyncadd.s32 @!p0 s1  }
0x6a: {  	[bflag:$0x3] =	sbarrier.arrive $0xFFFF  }
0x6b: {  	_ =	shalt  }

// kernel: kernel.16.cloned.1.call-start
scs
__scs_entry_jumppad:
0x0: {  	(pc) =	sbr.rel $0x88, $3  }
0x1: {  	(tag) =	ssettag $0x0;
	lr =	simm.s32 $0x1  }
0x2: {  	[smem:$0x3F94] =	sst lr;
	_ =	strace $0xD0000000  }
0x3: {  	_ = 	snop  }
0x4: {  	_ = 	snop  }
0x5: {  	_ = 	snop  }
0x6: {  	_ = 	snop  }
0x7: {  	_ = 	snop  }
__scs_overlays_trampoline_lowered:
0x8: {  	[smem:$0x3FA3] =	sst s0  }
0x9: {  	[smem:$0x3FA4] =	sst s1  }
0xa: {  	[smem:$0x3FA5] =	sst s2  }
0xb: {  	[smem:$0x3FA6] =	sst s3  }
0xc: {  	[smem:$0x3FA7] =	sst s4  }
0xd: {  	[smem:$0x3FA8] =	sst s5  }
0xe: {  	[smem:$0x3FA9] =	sst s6  }
0xf: {  	[smem:$0x3FAA] =	sst s7  }
0x10: {  	[smem:$0x3FAB] =	sst s8  }
0x11: {  	[smem:$0x3FAC] =	sst s9;
	s0 =	simm.s32 @!p0 $0x0  }
0x12: {  	s1 =	sld [smem:$0x3F92];
	s0 =	simm.s32 @p0 $0x1  }
0x13: {  	[smem:$0x3FAD] =	sst s0;
	s0 =	simm.s32 @!p1 $0x0  }
0x14: {  	s2 =	sld [smem:$0x3F91];
	s0 =	simm.s32 @p1 $0x1  }
0x15: {  	[smem:$0x3FAE] =	sst s0;
	s0 =	simm.s32 @!p2 $0x0  }
0x16: {  	s3 =	sld [smem:$0x3FDB];
	s0 =	simm.s32 @p2 $0x1  }
0x17: {  	s4 =	simm.s32 $0x1BF5;
	[smem:$0x3FB0] =	sst s0  }
0x18: {  	s0 =	sld [smem:$0x3F93];
	_ =	swait.ge [sflag:s4], $0x0  }
0x19: {  	s7 =	sld [smem:$0x3F94]  }
0x1a: {  	s8 =	sadd.s32 $0xFFFFE003, lr  }
0x1b: {  	s9 =	sadd.s32 $0xFFFFFEF7, lr;
	s5 =	simm.s32 $0xFFFFFFFF;
	p2 =	slt.u32 s8, $0xFFFFF086  }
0x1c: {  	p1 =	slt.u32 s9, $0xF7A;
	s5 =	simm.s32 @!p2 $0x0  }
0x1d: {  	s5 =	simm.s32 @p1 $0x1;
	p0 =	seq.s32 s7, s2  }
0x1e: {  	s7 =	smul.u32 @!p0 $0xF7A, s2;
	p2 =	seq.s32 @!p0 s5, $0x0  }
0x1f: {  	s9 =	smul.u32 $0xF7A, s1;
	s8 =	simm.s32 @!p0 $0x1BF5;
	p2 =	por !p2, p0  }
0x20: {  	[sflag:s8] =	ssyncset.s32 @!p0 $0xFFFFF086;
	s6 =	sadd.s32 @!p0 s3, s7;
	s7 =	simm.s32 @!p0 $0x108  }
0x21: {  	s3 =	sadd.s32 s3, s9;
	s6 =	sadd.s32 @!p0 $0x88, s6;
	s7 =	simm.s32 @p2 $0x1082  }
0x22: {  	[simem:s7], [sflag:s8] =	dma.local @!p0 [hbm:s6], $0xF7A  }
0x23: {  	s9 =	sor.u32 $0xD0000000, s2;
	s6 =	simm.s32 $0x108;
	_ =	swait.ge @!p0 [sflag:s8], $0x0  }
0x24: {  	s3 =	sadd.s32 $0x88, s3;
	s6 =	simm.s32 @!p1 $0x1082;
	[sflag:s4] =	ssyncset.s32 $0xFFFFF086  }
0x25: {  	[simem:s6], [sflag:s4] =	dma.local [hbm:s3], $0xF7A  }
0x26: {  	[smem:$0x3F94] =	sst s1;
	(tag) =	ssettag s2;
	_ =	strace s9  }
0x27: {  	s1 =	sld [smem:$0x3FA4]  }
0x28: {  	s2 =	sld [smem:$0x3FA5]  }
0x29: {  	s4 =	sld [smem:$0x3FA7]  }
0x2a: {  	p0 =	seq.s32 s5, $0x0;
	s5 =	sld [smem:$0x3FA8]  }
0x2b: {  	s6 =	sld [smem:$0x3FA9]  }
0x2c: {  	s7 =	sld [smem:$0x3FAA]  }
0x2d: {  	s3 =	simm.s32 $0x108;
	s8 =	sld [smem:$0x3FAB]  }
0x2e: {  	s3 =	simm.s32 @!p0 $0x1082;
	s9 =	sld [smem:$0x3FAC]  }
0x2f: {  	lr =	sadd.s32 s0, s3;
	s0 =	sld [smem:$0x3FA3]  }
0x30: {  	s3 =	sld [smem:$0x3FA6]  }
0x31: {  	[smem:$0x3FAF] =	sst s10  }
0x32: {  	s10 =	sld [smem:$0x3FAD];
	_ =	sdelay $0x3  }
0x33: {  	p0 =	seq.s32 s10, $0x1;
	s10 =	sld [smem:$0x3FAF];
	_ =	sdelay $0x3  }
0x34: {  	[smem:$0x3FAF] =	sst s10  }
0x35: {  	s10 =	sld [smem:$0x3FAE];
	_ =	sdelay $0x3  }
0x36: {  	p1 =	seq.s32 s10, $0x1;
	s10 =	sld [smem:$0x3FAF];
	_ =	sdelay $0x3  }
0x37: {  	[smem:$0x3FAF] =	sst s10  }
0x38: {  	s10 =	sld [smem:$0x3FB0]  }
0x39: {  	_ = 	snop;
	(pc) =	sbr.ind lr, $3  }
0x3a: {  	_ = 	snop  }
0x3b: {  	_ = 	snop  }
0x3c: {  	p2 =	seq.s32 s10, $0x1;
	s10 =	sld [smem:$0x3FAF]  }
0x3d: {  	_ =	shalt  }
0x3e: {  	_ =	shalt  }
0x3f: {  	_ =	shalt  }
0x40: {  	_ =	shalt  }
0x41: {  	_ =	shalt  }
0x42: {  	_ =	shalt  }
0x43: {  	_ =	shalt  }
0x44: {  	_ =	shalt  }
0x45: {  	_ =	shalt  }
0x46: {  	_ =	shalt  }
0x47: {  	_ =	shalt  }
0x48: {  	_ =	shalt  }
0x49: {  	_ =	shalt  }
0x4a: {  	_ =	shalt  }
0x4b: {  	_ =	shalt  }
0x4c: {  	_ =	shalt  }
0x4d: {  	_ =	shalt  }
0x4e: {  	_ =	shalt  }
0x4f: {  	_ =	shalt  }
0x50: {  	_ =	shalt  }
0x51: {  	_ =	shalt  }
0x52: {  	_ =	shalt  }
0x53: {  	_ =	shalt  }
0x54: {  	_ =	shalt  }
0x55: {  	_ =	shalt  }
0x56: {  	_ =	shalt  }
0x57: {  	_ =	shalt  }
0x58: {  	_ =	shalt  }
0x59: {  	_ =	shalt  }
0x5a: {  	_ =	shalt  }
0x5b: {  	_ =	shalt  }
0x5c: {  	_ =	shalt  }
0x5d: {  	_ =	shalt  }
0x5e: {  	_ =	shalt  }
0x5f: {  	_ =	shalt  }
0x60: {  	_ =	shalt  }
0x61: {  	_ =	shalt  }
0x62: {  	_ =	shalt  }
0x63: {  	_ =	shalt  }
0x64: {  	_ =	shalt  }
0x65: {  	_ =	shalt  }
0x66: {  	_ =	shalt  }
0x67: {  	_ =	shalt  }
0x68: {  	_ =	shalt  }
0x69: {  	_ =	shalt  }
0x6a: {  	_ =	shalt  }
0x6b: {  	_ =	shalt  }
0x6c: {  	_ =	shalt  }
0x6d: {  	_ =	shalt  }
0x6e: {  	_ =	shalt  }
0x6f: {  	_ =	shalt  }
0x70: {  	_ =	shalt  }
0x71: {  	_ =	shalt  }
0x72: {  	_ =	shalt  }
0x73: {  	_ =	shalt  }
0x74: {  	_ =	shalt  }
0x75: {  	_ =	shalt  }
0x76: {  	_ =	shalt  }
0x77: {  	_ =	shalt  }
0x78: {  	_ =	shalt  }
0x79: {  	_ =	shalt  }
0x7a: {  	_ =	shalt  }
0x7b: {  	_ =	shalt  }
0x7c: {  	_ =	shalt  }
0x7d: {  	_ =	shalt  }
0x7e: {  	_ =	shalt  }
0x7f: {  	_ =	shalt  }
0x80: {  	_ =	shalt  }
0x81: {  	_ =	shalt  }
0x82: {  	_ =	shalt  }
0x83: {  	_ =	shalt  }
0x84: {  	_ =	shalt  }
0x85: {  	_ =	shalt  }
0x86: {  	_ =	shalt  }
0x87: {  	_ =	shalt  }
.Lfunc_end0:
.L_simem_size_0:
called_computation.2_lowered:
.L_overlay_start_0:
0x88: {  	s2 =	sld [smem:$0x3FD9]  }
0x89: {  	s3 =	sld [smem:$0x3FFE];
	_ =	sdelay $0x1  }
0x8a: {  	s1 =	srdreg.scid  }
0x8b: {  	s0 =	sand.u32 $0x1, s1  }
0x8c: {  	s17 =	sshll.u32 s0, $0xA;
	s2 =	sadd.s32 s3, s2  }
0x8d: {  	s2 =	sadd.s32 s2, s17  }
0x8e: {  	[smem:$0x3FBB] =	sst s2  }
0x8f: {  	_ = 	snop  }
0x90: {  	s2 =	sld [smem:$0x3FD0];
	(tm) =	ssettm $0x1  }
0x91: {  	s18 =	sld [smem:$0x3FFB];
	_ =	sdelay $0x3  }
0x92: {  	_ =	strace s18  }
0x93: {  	s3 =	sld [smem:$0x3FFC];
	_ =	sdelay $0x3  }
0x94: {  	_ =	strace s3  }
0x95: {  	s3 =	sld [smem:$0x3FFD];
	_ =	sdelay $0x3  }
0x96: {  	_ =	strace s3  }
0x97: {  	_ =	strace $0x8FFFFFFF  }
0x98: {  	s19 =	sld [smem:$0x3FDB];
	_ =	sdelay $0x1  }
0x99: {  	s4 =	simm.s32 $_scs_section_size  }
0x9a: {  	s5 =	simm.s32 $_size__tile_overlayer_lowered;
	s6 =	simm.s32 $_tile_overlayer_lowered  }
0x9b: {  	s22 =	simm.s32 $0x1BFF;
	s21 =	sshll.u32 s6, $0x1;
	s3 =	sadd.s32 s4, s19  }
0x9c: {  	s7 =	simm.s32 $0x0;
	s20 =	sshll.u32 s5, $0x1;
	s5 =	sadd.s32 s21, s3  }
0x9d: {  	[timem:s7], [sflag:s22] =	dma.local [hbm:s5], s20  }
0x9e: {  	_ =	swait.ge [sflag:s22], s20  }
0x9f: {  	s4 =	ssub.s32 $0x0, s20;
	[sflag:s22] =	ssyncset.done $0x0  }
0xa0: {  	[sflag:s22] =	ssyncadd.s32 s4;
	_ =	sdelay $0x1  }
0xa1: {  	s23 =	simm.s32 $0x1B8B  }
0xa2: {  	_ =	swait.ge [sflag:s23], $0x1  }
0xa3: {  	[sflag:s23] =	ssyncset.done $0x0  }
0xa4: {  	s25 =	simm.s32 $0x1B8E;
	s24 =	sld [smem:$0x3FFE];
	[sflag:s23] =	ssyncadd.s32 $0xFFFFFFFF  }
0xa5: {  	s26 =	simm.s32 $execute0_lowered;
	[smem:$0x3FD2] =	sst s25  }
0xa6: {  	s5 =	sshll.u32 s26, $0x1;
	_ =	strace $0x8000004C;
	[dreg:$0x1] =	wrdreg $0xFFFFFFFF  }
0xa7: {  	s28 =	simm.s32 $_size_execute0_lowered;
	s3 =	sadd.s32 s3, s5;
	[dreg:$0x0] =	wrdreg $0x0  }
0xa8: {  	s5 =	sshll.u32 s28, $0x1;
	[dreg:$0x2] =	wrdreg s3  }
0xa9: {  	[dreg:$0x3] =	wrdreg s5  }
0xaa: {  	[dreg:$0x4] =	wrdreg $0xC0  }
0xab: {  	_ =	task [dreg:s7], $0x5FFFF  }
0xac: {  	[dreg:$0x1] =	wrdreg $0xFFFFFFFF  }
0xad: {  	[dreg:$0x0] =	wrdreg $0x60  }
0xae: {  	[dreg:$0x2] =	wrdreg s24  }
0xaf: {  	[dreg:$0x3] =	wrdreg s2  }
0xb0: {  	[dreg:$0x4] =	wrdreg $0x90000  }
0xb1: {  	[dreg:$0x5] =	wrdreg $0x9  }
0xb2: {  	_ =	task.clear_ibuf [dreg:s7], $0x6FFFF;
	_ =	strace $0x9000004C  }
0xb3: {  	s29 =	simm.s32 $0x9;
	_ =	strace $0x8000004E  }
0xb4: {  	_ =	swait.ge [sflag:s29], $0x1  }
0xb5: {  	[sflag:s29] =	ssyncadd.s32 $0xFFFFFFFF  }
0xb6: {  	_ =	strace $0x9000004E  }
0xb7: {  	_ =	sfence  }
0xb8: {  	s30 =	sld [smem:$0x0];
	_ =	sdelay $0x2  }
0xb9: {  	s31 =	sshll.u32 s1, $0xD;
	s1 =	sshrl.u32 s1, $0x2  }
0xba: {  	s3 =	sand.u32 $0x4000, s31;
	s1 =	sadd.s32 s1, s30  }
0xbb: {  	s0 =	sor.u32 s3, s0;
	s1 =	sshll.u32 s1, $0x11  }
0xbc: {  	s0 =	sor.u32 s1, s0  }
0xbd: {  	s0 =	sadd.s32 $0x8F2B, s0  }
0xbe: {  	[sflag:s0] =	ssyncadd.remote.s32 $0x1  }
0xbf: {  	_ =	sfence.sel $0xFFFF  }
0xc0: {  	[dreg:$0x0] =	wrdreg $0xFFFFFFFF;
	(pc) =	sbr.abs _section_cstart, $3  }
0xc1: {  	[dreg:$0x1] =	wrdreg $0xFFFFFFFF  }
0xc2: {  	_ =	task.clear_ibuf [dreg:s7], $0x2FFFF;
	_ =	strace $0x9FFFFFFF  }
0xc3: {  	(tm) =	ssettm $0x7FFFFFFF  }
tec
execute0_lowered:
.L_overlay_start_1:
0x0: {  	(tag) =	ssettag $0x1  }
0x1: {  	s5 =	rddreg [dreg:$0x0]  }
0x2: {  	s6 =	rddreg [dreg:$0x1]  }
0x3: {  	s1 =	rddreg [dreg:$0x2]  }
0x4: {  	s2 =	srdreg.scid;
	s0 =	rddreg [dreg:$0x3];
	s3 =	simm.s32 $0x0  }
0x5: {  	s14 =	simm.s32 $0x1;
	s15 =	simm.s32 $0x2800;
	s16 =	simm.s32 $0x5000  }
0x6: {  	s17 =	simm.s32 $0x80;
	s7 =	sand.u32 $0x1, s2;
	s2 =	stileid.u32  }
0x7: {  	s20 =	simm.s32 $0x0;
	[smem:$0x7FF] =	sst s3;
	s8 =	smul.u32 $0x140000, s7  }
0x8: {  	s4 =	sadd.s32 $0xD800, s5;
	s9 =	sshll.u32 s2, $0x1;
	s10 =	smul.u32 $0x14000, s2  }
0x9: {  	_ =	strace $0x8000004D;
	s11 =	smul.u32 $0x50000, s2;
	s18 =	sshll.u32 s2, $0x6  }
0xa: {  	s9 =	sor.u32 s7, s9;
	s7 =	ssub.s32 $0x2, s7;
	s18 =	sor.u32 $0x1C01, s18  }
0xb: {  	s9 =	smul.u32 $0x500, s9;
	s8 =	sadd.s32 s10, s8;
	s30 =	sshrl.u32 s7, $0x1  }
0xc: {  	s31 =	sshrl.u32 s11, $0x2;
	s8 =	sshrl.u32 s8, $0x3;
	s10 =	ssub.s32 s7, s30  }
0xd: {  	s7 =	sadd.s32 s31, s1;
	s12 =	sadd.s32 s9, s5;
	s8 =	sadd.s32 s8, s5  }
0xe: {  	s5 =	sadd.s32 s6, s9;
	s9 =	smax.u32 s10, $0x1;
	s10 =	sadd.s32 $0x4000, s7  }
0xf: {  	s11 =	sadd.s32 $0x8000, s7;
	s13 =	sadd.s32 $0x10000, s7;
	s19 =	sshrl.u32 s7, $0x3  }
0x10: {  	v0 =	vimm.f32 $0.0e+00;
	s6 =	sadd.s32 $0x3800, s12;
	s8 =	sadd.s32 $0x5D800, s8;
	s12 =	sadd.s32 $0xC000, s7  }
.LBB2_1:
0x11: {  	[tilespmem:s3], [sflag:$0x1] =	stream.linear.gather [hbm4b:s5+s3], $0x2780, $0x38;
	[tilespmem:$0x1D000] =	vst v63  }
0x12: {  	_ =	swait.ge [sflag:s14], $0x2780  }
0x13: {  	[sflag:s14] =	ssyncset.done $0x0  }
0x14: {  	[sflag:s14] =	ssyncadd.s32 $0xFFFFD880  }
0x15: {  	[tilespmem:s15], [sflag:$0x1] =	stream.linear.gather [hbm4b:s6+s3], $0x2780, $0x38;
	[tilespmem:$0x1D000] =	vst v63  }
0x16: {  	_ =	swait.ge [sflag:s14], $0x2780  }
0x17: {  	[sflag:s14] =	ssyncset.done $0x0  }
0x18: {  	s21 =	simm.s32 $0x0;
	s22 =	simm.s32 $0x200;
	[sflag:s14] =	ssyncadd.s32 $0xFFFFD880  }
.LBB2_2:
0x19: {  	p0 =	sne.s32 s22, $0xFE00;
	[tilespmem:s21+$0x5070] =	vst v0  }
0x1a: {  	[tilespmem:s21+$0x5000] =	vst v0  }
0x1b: {  	[tilespmem:s21+$0x5010] =	vst v0  }
.Ltmp0:
0x1c: {  	[tilespmem:s21+$0x5020] =	vst v0;
	(pc) =	sbr.rel @p0 .LBB2_2-.Ltmp0, $4  }
0x1d: {  	[tilespmem:s21+$0x5030] =	vst v0  }
0x1e: {  	[tilespmem:s21+$0x5040] =	vst v0  }
0x1f: {  	[tilespmem:s21+$0x5050] =	vst v0  }
0x20: {  	[tilespmem:s21+$0x5060] =	vst v0;
	s21 =	sshra.s32 s22, $0x2;
	s22 =	sadd.s32 $0x200, s22  }
0x21: {  	[tilespmem:s21+$0x5070] =	vst v0  }
0x22: {  	[tilespmem:s21+$0x5000] =	vst v0  }
0x23: {  	[tilespmem:s21+$0x5010] =	vst v0  }
0x24: {  	[tilespmem:s21+$0x5020] =	vst v0  }
0x25: {  	[tilespmem:s21+$0x5030] =	vst v0  }
0x26: {  	[tilespmem:s21+$0x5040] =	vst v0  }
0x27: {  	[tilespmem:s21+$0x5050] =	vst v0  }
0x28: {  	[tilespmem:s21+$0x5060] =	vst v0  }
0x29: {  	[spmem:s7] =	stream.linear.scatter [tilespmem:s16], [sflag:$0x1], $0x4000, $0x38;
	[tilespmem:$0x1D000] =	vst v63  }
0x2a: {  	_ =	swait.ge [sflag:s14], $0x4000  }
0x2b: {  	[sflag:s14] =	ssyncset.done $0x0  }
0x2c: {  	[sflag:s14] =	ssyncadd.s32 $0xFFFFC000  }
0x2d: {  	[spmem:s10] =	stream.linear.scatter [tilespmem:s16], [sflag:$0x1], $0x4000, $0x38;
	[tilespmem:$0x1D000] =	vst v63  }
0x2e: {  	_ =	swait.ge [sflag:s14], $0x4000  }
0x2f: {  	[sflag:s14] =	ssyncset.done $0x0  }
0x30: {  	[sflag:s14] =	ssyncadd.s32 $0xFFFFC000  }
0x31: {  	[spmem:s11] =	stream.linear.scatter [tilespmem:s16], [sflag:$0x1], $0x4000, $0x38;
	[tilespmem:$0x1D000] =	vst v63  }
0x32: {  	_ =	swait.ge [sflag:s14], $0x4000  }
0x33: {  	[sflag:s14] =	ssyncset.done $0x0  }
0x34: {  	[sflag:s14] =	ssyncadd.s32 $0xFFFFC000  }
0x35: {  	[spmem:s12] =	stream.linear.scatter [tilespmem:s16], [sflag:$0x1], $0x4000, $0x38;
	[tilespmem:$0x1D000] =	vst v63  }
0x36: {  	_ =	swait.ge [sflag:s14], $0x4000  }
0x37: {  	[sflag:s14] =	ssyncset.done $0x0  }
0x38: {  	[sflag:s14] =	ssyncadd.s32 $0xFFFFC000  }
0x39: {  	[spmem:s13] =	stream.linear.scatter [tilespmem:s16], [sflag:$0x1], $0x4000, $0x38;
	[tilespmem:$0x1D000] =	vst v63  }
0x3a: {  	_ =	swait.ge [sflag:s14], $0x4000  }
0x3b: {  	[sflag:s14] =	ssyncset.done $0x0  }
0x3c: {  	[sflag:s14] =	ssyncadd.s32 $0xFFFFC000  }
0x3d: {  	s30 =	simm.s32 $0x0;
	[bflag:$0x0] =	sbarrier.arrive $0xFFFF  }
0x3e: {  	[tilespmem:s16], [sflag:$0x1] =	stream.indirect.gather [hbm4b:s4+s17], $0x80, s30, s17, $0xb8;
	[tilespmem:$0x1D000] =	vst v63  }
0x3f: {  	_ =	swait.ge [sflag:s14], $0x4000  }
0x40: {  	[sflag:s14] =	ssyncset.done $0x0  }
0x41: {  	s31 =	simm.s32 $0x2800;
	[sflag:s14] =	ssyncadd.s32 $0xFFFFC000  }
0x42: {  	[spmem:s1] =	stream.indirect.scatter.add.f32 [tilespmem:s16], [sflag:$0x1], $0x80, s31, s17, $0xb8;
	[tilespmem:$0x1D000] =	vst v63  }
0x43: {  	_ =	swait.ge [sflag:s14], $0x4000  }
0x44: {  	s21 =	simm.s32 $0x200;
	s22 =	simm.s32 $0x400;
	[sflag:s14] =	ssyncset.done $0x0  }
.LBB2_4:
0x45: {  	s23 =	sshra.s32 s21, $0x2  }
0x46: {  	[sflag:s14] =	ssyncadd.s32 $0xFFFFC000;
	s21 =	smov.u32 s22;
	s24 =	sadd.s32 $0x200, s22  }
0x47: {  	[tilespmem:s16], [sflag:$0x1] =	stream.indirect.gather [hbm4b:s4+s17], $0x80, s23, s17, $0xb8;
	[tilespmem:$0x1D000] =	vst v63  }
0x48: {  	p0 =	sne.s32 s22, $0x9C00;
	_ =	swait.ge [sflag:s14], $0x4000  }
.Ltmp1:
0x49: {  	[sflag:s14] =	ssyncset.done $0x0;
	(pc) =	sbr.rel @p0 .LBB2_4-.Ltmp1, $4  }
0x4a: {  	s22 =	sadd.s32 $0x2800, s23;
	[sflag:s14] =	ssyncadd.s32 $0xFFFFC000  }
0x4b: {  	[spmem:s1] =	stream.indirect.scatter.add.f32 [tilespmem:s16], [sflag:$0x1], $0x80, s22, s17, $0xb8;
	[tilespmem:$0x1D000] =	vst v63  }
0x4c: {  	_ =	swait.ge [sflag:s14], $0x4000  }
0x4d: {  	s22 =	smov.u32 s24;
	[sflag:s14] =	ssyncset.done $0x0  }
0x4e: {  	s21 =	sshra.s32 s21, $0x2;
	[sflag:s14] =	ssyncadd.s32 $0xFFFFC000  }
0x4f: {  	[tilespmem:s16], [sflag:$0x1] =	stream.indirect.gather [hbm4b:s4+s17], $0x80, s21, s17, $0xb8;
	[tilespmem:$0x1D000] =	vst v63  }
0x50: {  	_ =	swait.ge [sflag:s14], $0x4000  }
0x51: {  	[sflag:s14] =	ssyncset.done $0x0  }
0x52: {  	s21 =	sadd.s32 $0x2800, s21;
	[sflag:s14] =	ssyncadd.s32 $0xFFFFC000  }
0x53: {  	[spmem:s1] =	stream.indirect.scatter.add.f32 [tilespmem:s16], [sflag:$0x1], $0x80, s21, s17, $0xb8;
	[tilespmem:$0x1D000] =	vst v63  }
0x54: {  	_ =	swait.ge [sflag:s14], $0x4000  }
0x55: {  	s20 =	sadd.s32 $0x1, s20;
	[sflag:s14] =	ssyncset.done $0x0  }
0x56: {  	p0 =	sne.s32 s20, s9;
	[sflag:s14] =	ssyncadd.s32 $0xFFFFC000  }
.Ltmp2:
0x57: {  	[bflag:$0x0] =	sbarrier.arrive $0xFFFF;
	(pc) =	sbr.rel @p0 .LBB2_1-.Ltmp2, $4  }
0x58: {  	[hbm:s8], [sflag:s18] =	dma.local [spmem:s19], $0x2800  }
0x59: {  	_ =	swait.ge [sflag:s14], $0x2800  }
0x5a: {  	[sflag:s14] =	ssyncset.done $0x0  }
0x5b: {  	[sflag:s14] =	ssyncadd.s32 $0xFFFFD800  }
0x5c: {  	_ =	sfence.sel $0x180000  }
0x5d: {  	[bflag:$0x0] =	sbarrier.arrive $0xFFFF  }
0x5e: {  	p0 =	sne.s32 s2, $0x0;
	_ =	strace $0x9000004D  }
0x5f: {  	s0 =	sadd.s32 @!p0 $0x100000, s0;
	[bflag:$0x2] =	sbarrier.arrive $0xFFFF  }
0x60: {  	[sflag:s0] =	ssyncadd.tile.s32 @!p0 $0x1;
	_ =	shalt  }
.Lfunc_end2:
_tile_overlayer_lowered:
.L_overlay_start_2:
0x61: {  	(tag) =	ssettag $0x2  }
0x62: {  	s0 =	rddreg [dreg:$0x0];
	s2 =	stileid.u32  }
0x63: {  	s1 =	rddreg [dreg:$0x1];
	p0 =	sne.s32 s2, $0x0  }
0x64: {  	s3 =	rddreg [dreg:$0x2];
	[bflag:$0x3] =	sbarrier.arrive $0xFFFF;
	s2 =	simm.s32 @!p0 $0x1C01  }
0x65: {  	[timem:s3], [sflag:s2] =	dma.local @!p0 [hbm:s0], s1  }
0x66: {  	s0 =	simm.s32 @!p0 $0x1  }
0x67: {  	_ =	swait.ge @!p0 [sflag:s0], s1  }
0x68: {  	s1 =	ssub.s32 @!p0 $0x0, s1;
	[sflag:s0] =	ssyncset.done @!p0 $0x0  }
0x69: {  	[sflag:s0] =	ssyncadd.s32 @!p0 s1  }
0x6a: {  	[bflag:$0x3] =	sbarrier.arrive $0xFFFF  }
0x6b: {  	_ =	shalt  }

// kernel: kernel.19.cloned.1.call-start
scs
__scs_entry_jumppad:
0x0: {  	(pc) =	sbr.rel $0x88, $3  }
0x1: {  	(tag) =	ssettag $0x0;
	lr =	simm.s32 $0x1  }
0x2: {  	[smem:$0x3F94] =	sst lr;
	_ =	strace $0xD0000000  }
0x3: {  	_ = 	snop  }
0x4: {  	_ = 	snop  }
0x5: {  	_ = 	snop  }
0x6: {  	_ = 	snop  }
0x7: {  	_ = 	snop  }
__scs_overlays_trampoline_lowered:
0x8: {  	[smem:$0x3FA3] =	sst s0  }
0x9: {  	[smem:$0x3FA4] =	sst s1  }
0xa: {  	[smem:$0x3FA5] =	sst s2  }
0xb: {  	[smem:$0x3FA6] =	sst s3  }
0xc: {  	[smem:$0x3FA7] =	sst s4  }
0xd: {  	[smem:$0x3FA8] =	sst s5  }
0xe: {  	[smem:$0x3FA9] =	sst s6  }
0xf: {  	[smem:$0x3FAA] =	sst s7  }
0x10: {  	[smem:$0x3FAB] =	sst s8  }
0x11: {  	[smem:$0x3FAC] =	sst s9;
	s0 =	simm.s32 @!p0 $0x0  }
0x12: {  	s1 =	sld [smem:$0x3F92];
	s0 =	simm.s32 @p0 $0x1  }
0x13: {  	[smem:$0x3FAD] =	sst s0;
	s0 =	simm.s32 @!p1 $0x0  }
0x14: {  	s2 =	sld [smem:$0x3F91];
	s0 =	simm.s32 @p1 $0x1  }
0x15: {  	[smem:$0x3FAE] =	sst s0;
	s0 =	simm.s32 @!p2 $0x0  }
0x16: {  	s3 =	sld [smem:$0x3FDB];
	s0 =	simm.s32 @p2 $0x1  }
0x17: {  	s4 =	simm.s32 $0x1BF5;
	[smem:$0x3FB0] =	sst s0  }
0x18: {  	s0 =	sld [smem:$0x3F93];
	_ =	swait.ge [sflag:s4], $0x0  }
0x19: {  	s7 =	sld [smem:$0x3F94]  }
0x1a: {  	s8 =	sadd.s32 $0xFFFFE003, lr  }
0x1b: {  	s9 =	sadd.s32 $0xFFFFFEF7, lr;
	s5 =	simm.s32 $0xFFFFFFFF;
	p2 =	slt.u32 s8, $0xFFFFF086  }
0x1c: {  	p1 =	slt.u32 s9, $0xF7A;
	s5 =	simm.s32 @!p2 $0x0  }
0x1d: {  	s5 =	simm.s32 @p1 $0x1;
	p0 =	seq.s32 s7, s2  }
0x1e: {  	s7 =	smul.u32 @!p0 $0xF7A, s2;
	p2 =	seq.s32 @!p0 s5, $0x0  }
0x1f: {  	s9 =	smul.u32 $0xF7A, s1;
	s8 =	simm.s32 @!p0 $0x1BF5;
	p2 =	por !p2, p0  }
0x20: {  	[sflag:s8] =	ssyncset.s32 @!p0 $0xFFFFF086;
	s6 =	sadd.s32 @!p0 s3, s7;
	s7 =	simm.s32 @!p0 $0x108  }
0x21: {  	s3 =	sadd.s32 s3, s9;
	s6 =	sadd.s32 @!p0 $0x88, s6;
	s7 =	simm.s32 @p2 $0x1082  }
0x22: {  	[simem:s7], [sflag:s8] =	dma.local @!p0 [hbm:s6], $0xF7A  }
0x23: {  	s9 =	sor.u32 $0xD0000000, s2;
	s6 =	simm.s32 $0x108;
	_ =	swait.ge @!p0 [sflag:s8], $0x0  }
0x24: {  	s3 =	sadd.s32 $0x88, s3;
	s6 =	simm.s32 @!p1 $0x1082;
	[sflag:s4] =	ssyncset.s32 $0xFFFFF086  }
0x25: {  	[simem:s6], [sflag:s4] =	dma.local [hbm:s3], $0xF7A  }
0x26: {  	[smem:$0x3F94] =	sst s1;
	(tag) =	ssettag s2;
	_ =	strace s9  }
0x27: {  	s1 =	sld [smem:$0x3FA4]  }
0x28: {  	s2 =	sld [smem:$0x3FA5]  }
0x29: {  	s4 =	sld [smem:$0x3FA7]  }
0x2a: {  	p0 =	seq.s32 s5, $0x0;
	s5 =	sld [smem:$0x3FA8]  }
0x2b: {  	s6 =	sld [smem:$0x3FA9]  }
0x2c: {  	s7 =	sld [smem:$0x3FAA]  }
0x2d: {  	s3 =	simm.s32 $0x108;
	s8 =	sld [smem:$0x3FAB]  }
0x2e: {  	s3 =	simm.s32 @!p0 $0x1082;
	s9 =	sld [smem:$0x3FAC]  }
0x2f: {  	lr =	sadd.s32 s0, s3;
	s0 =	sld [smem:$0x3FA3]  }
0x30: {  	s3 =	sld [smem:$0x3FA6]  }
0x31: {  	[smem:$0x3FAF] =	sst s10  }
0x32: {  	s10 =	sld [smem:$0x3FAD];
	_ =	sdelay $0x3  }
0x33: {  	p0 =	seq.s32 s10, $0x1;
	s10 =	sld [smem:$0x3FAF];
	_ =	sdelay $0x3  }
0x34: {  	[smem:$0x3FAF] =	sst s10  }
0x35: {  	s10 =	sld [smem:$0x3FAE];
	_ =	sdelay $0x3  }
0x36: {  	p1 =	seq.s32 s10, $0x1;
	s10 =	sld [smem:$0x3FAF];
	_ =	sdelay $0x3  }
0x37: {  	[smem:$0x3FAF] =	sst s10  }
0x38: {  	s10 =	sld [smem:$0x3FB0]  }
0x39: {  	_ = 	snop;
	(pc) =	sbr.ind lr, $3  }
0x3a: {  	_ = 	snop  }
0x3b: {  	_ = 	snop  }
0x3c: {  	p2 =	seq.s32 s10, $0x1;
	s10 =	sld [smem:$0x3FAF]  }
0x3d: {  	_ =	shalt  }
0x3e: {  	_ =	shalt  }
0x3f: {  	_ =	shalt  }
0x40: {  	_ =	shalt  }
0x41: {  	_ =	shalt  }
0x42: {  	_ =	shalt  }
0x43: {  	_ =	shalt  }
0x44: {  	_ =	shalt  }
0x45: {  	_ =	shalt  }
0x46: {  	_ =	shalt  }
0x47: {  	_ =	shalt  }
0x48: {  	_ =	shalt  }
0x49: {  	_ =	shalt  }
0x4a: {  	_ =	shalt  }
0x4b: {  	_ =	shalt  }
0x4c: {  	_ =	shalt  }
0x4d: {  	_ =	shalt  }
0x4e: {  	_ =	shalt  }
0x4f: {  	_ =	shalt  }
0x50: {  	_ =	shalt  }
0x51: {  	_ =	shalt  }
0x52: {  	_ =	shalt  }
0x53: {  	_ =	shalt  }
0x54: {  	_ =	shalt  }
0x55: {  	_ =	shalt  }
0x56: {  	_ =	shalt  }
0x57: {  	_ =	shalt  }
0x58: {  	_ =	shalt  }
0x59: {  	_ =	shalt  }
0x5a: {  	_ =	shalt  }
0x5b: {  	_ =	shalt  }
0x5c: {  	_ =	shalt  }
0x5d: {  	_ =	shalt  }
0x5e: {  	_ =	shalt  }
0x5f: {  	_ =	shalt  }
0x60: {  	_ =	shalt  }
0x61: {  	_ =	shalt  }
0x62: {  	_ =	shalt  }
0x63: {  	_ =	shalt  }
0x64: {  	_ =	shalt  }
0x65: {  	_ =	shalt  }
0x66: {  	_ =	shalt  }
0x67: {  	_ =	shalt  }
0x68: {  	_ =	shalt  }
0x69: {  	_ =	shalt  }
0x6a: {  	_ =	shalt  }
0x6b: {  	_ =	shalt  }
0x6c: {  	_ =	shalt  }
0x6d: {  	_ =	shalt  }
0x6e: {  	_ =	shalt  }
0x6f: {  	_ =	shalt  }
0x70: {  	_ =	shalt  }
0x71: {  	_ =	shalt  }
0x72: {  	_ =	shalt  }
0x73: {  	_ =	shalt  }
0x74: {  	_ =	shalt  }
0x75: {  	_ =	shalt  }
0x76: {  	_ =	shalt  }
0x77: {  	_ =	shalt  }
0x78: {  	_ =	shalt  }
0x79: {  	_ =	shalt  }
0x7a: {  	_ =	shalt  }
0x7b: {  	_ =	shalt  }
0x7c: {  	_ =	shalt  }
0x7d: {  	_ =	shalt  }
0x7e: {  	_ =	shalt  }
0x7f: {  	_ =	shalt  }
0x80: {  	_ =	shalt  }
0x81: {  	_ =	shalt  }
0x82: {  	_ =	shalt  }
0x83: {  	_ =	shalt  }
0x84: {  	_ =	shalt  }
0x85: {  	_ =	shalt  }
0x86: {  	_ =	shalt  }
0x87: {  	_ =	shalt  }
.Lfunc_end0:
.L_simem_size_0:
called_computation.3_lowered:
.L_overlay_start_0:
0x88: {  	s2 =	sld [smem:$0x3FD9]  }
0x89: {  	s3 =	sld [smem:$0x3FFE];
	_ =	sdelay $0x1  }
0x8a: {  	s1 =	srdreg.scid  }
0x8b: {  	s0 =	sand.u32 $0x1, s1  }
0x8c: {  	s17 =	sshll.u32 s0, $0xA;
	s2 =	sadd.s32 s3, s2  }
0x8d: {  	s2 =	sadd.s32 s2, s17  }
0x8e: {  	[smem:$0x3FBB] =	sst s2  }
0x8f: {  	_ = 	snop  }
0x90: {  	s2 =	sld [smem:$0x3FD0];
	(tm) =	ssettm $0x1  }
0x91: {  	s18 =	sld [smem:$0x3FFB];
	_ =	sdelay $0x3  }
0x92: {  	_ =	strace s18  }
0x93: {  	s3 =	sld [smem:$0x3FFC];
	_ =	sdelay $0x3  }
0x94: {  	_ =	strace s3  }
0x95: {  	s3 =	sld [smem:$0x3FFD];
	_ =	sdelay $0x3  }
0x96: {  	_ =	strace s3  }
0x97: {  	_ =	strace $0x8FFFFFFF  }
0x98: {  	s19 =	sld [smem:$0x3FDB];
	_ =	sdelay $0x1  }
0x99: {  	s4 =	simm.s32 $_scs_section_size  }
0x9a: {  	s5 =	simm.s32 $_size__tile_overlayer_lowered;
	s6 =	simm.s32 $_tile_overlayer_lowered  }
0x9b: {  	s22 =	simm.s32 $0x1BFF;
	s21 =	sshll.u32 s6, $0x1;
	s3 =	sadd.s32 s4, s19  }
0x9c: {  	s7 =	simm.s32 $0x0;
	s20 =	sshll.u32 s5, $0x1;
	s5 =	sadd.s32 s21, s3  }
0x9d: {  	[timem:s7], [sflag:s22] =	dma.local [hbm:s5], s20  }
0x9e: {  	_ =	swait.ge [sflag:s22], s20  }
0x9f: {  	s4 =	ssub.s32 $0x0, s20;
	[sflag:s22] =	ssyncset.done $0x0  }
0xa0: {  	[sflag:s22] =	ssyncadd.s32 s4;
	_ =	sdelay $0x1  }
0xa1: {  	s23 =	simm.s32 $0x1B8B  }
0xa2: {  	_ =	swait.ge [sflag:s23], $0x1  }
0xa3: {  	[sflag:s23] =	ssyncset.done $0x0  }
0xa4: {  	s25 =	simm.s32 $0x1B8E;
	s24 =	sld [smem:$0x3FFE];
	[sflag:s23] =	ssyncadd.s32 $0xFFFFFFFF  }
0xa5: {  	s26 =	simm.s32 $execute0_lowered;
	[smem:$0x3FD2] =	sst s25  }
0xa6: {  	s5 =	sshll.u32 s26, $0x1;
	_ =	strace $0x8000004F;
	[dreg:$0x1] =	wrdreg $0xFFFFFFFF  }
0xa7: {  	s28 =	simm.s32 $_size_execute0_lowered;
	s3 =	sadd.s32 s3, s5;
	[dreg:$0x0] =	wrdreg $0x0  }
0xa8: {  	s5 =	sshll.u32 s28, $0x1;
	[dreg:$0x2] =	wrdreg s3  }
0xa9: {  	[dreg:$0x3] =	wrdreg s5  }
0xaa: {  	[dreg:$0x4] =	wrdreg $0xC0  }
0xab: {  	_ =	task [dreg:s7], $0x5FFFF  }
0xac: {  	[dreg:$0x1] =	wrdreg $0xFFFFFFFF  }
0xad: {  	[dreg:$0x0] =	wrdreg $0x60  }
0xae: {  	[dreg:$0x2] =	wrdreg s24  }
0xaf: {  	[dreg:$0x3] =	wrdreg s2  }
0xb0: {  	[dreg:$0x4] =	wrdreg $0x90000  }
0xb1: {  	[dreg:$0x5] =	wrdreg $0x9  }
0xb2: {  	_ =	task.clear_ibuf [dreg:s7], $0x6FFFF;
	_ =	strace $0x9000004F  }
0xb3: {  	s29 =	simm.s32 $0x9;
	_ =	strace $0x80000051  }
0xb4: {  	_ =	swait.ge [sflag:s29], $0x1  }
0xb5: {  	[sflag:s29] =	ssyncadd.s32 $0xFFFFFFFF  }
0xb6: {  	_ =	strace $0x90000051  }
0xb7: {  	_ =	sfence  }
0xb8: {  	s30 =	sld [smem:$0x0];
	_ =	sdelay $0x2  }
0xb9: {  	s31 =	sshll.u32 s1, $0xD;
	s1 =	sshrl.u32 s1, $0x2  }
0xba: {  	s3 =	sand.u32 $0x4000, s31;
	s1 =	sadd.s32 s1, s30  }
0xbb: {  	s0 =	sor.u32 s3, s0;
	s1 =	sshll.u32 s1, $0x11  }
0xbc: {  	s0 =	sor.u32 s1, s0  }
0xbd: {  	s0 =	sadd.s32 $0x8F2B, s0  }
0xbe: {  	[sflag:s0] =	ssyncadd.remote.s32 $0x1  }
0xbf: {  	_ =	sfence.sel $0xFFFF  }
0xc0: {  	[dreg:$0x0] =	wrdreg $0xFFFFFFFF;
	(pc) =	sbr.abs _section_cstart, $3  }
0xc1: {  	[dreg:$0x1] =	wrdreg $0xFFFFFFFF  }
0xc2: {  	_ =	task.clear_ibuf [dreg:s7], $0x2FFFF;
	_ =	strace $0x9FFFFFFF  }
0xc3: {  	(tm) =	ssettm $0x7FFFFFFF  }
tec
execute0_lowered:
.L_overlay_start_1:
0x0: {  	(tag) =	ssettag $0x1  }
0x1: {  	s5 =	rddreg [dreg:$0x0]  }
0x2: {  	s6 =	rddreg [dreg:$0x1]  }
0x3: {  	s1 =	rddreg [dreg:$0x2]  }
0x4: {  	s2 =	srdreg.scid;
	s0 =	rddreg [dreg:$0x3];
	s3 =	simm.s32 $0x0  }
0x5: {  	s14 =	simm.s32 $0x1;
	s15 =	simm.s32 $0x2800;
	s16 =	simm.s32 $0x5000  }
0x6: {  	s17 =	simm.s32 $0x80;
	s7 =	sand.u32 $0x1, s2;
	s2 =	stileid.u32  }
0x7: {  	s20 =	simm.s32 $0x0;
	[smem:$0x7FF] =	sst s3;
	s8 =	smul.u32 $0x140000, s7  }
0x8: {  	s4 =	sadd.s32 $0xD800, s5;
	s9 =	sshll.u32 s2, $0x1;
	s10 =	smul.u32 $0x14000, s2  }
0x9: {  	_ =	strace $0x80000050;
	s11 =	smul.u32 $0x50000, s2;
	s18 =	sshll.u32 s2, $0x6  }
0xa: {  	s9 =	sor.u32 s7, s9;
	s7 =	ssub.s32 $0x2, s7;
	s18 =	sor.u32 $0x1C01, s18  }
0xb: {  	s9 =	smul.u32 $0x500, s9;
	s8 =	sadd.s32 s10, s8;
	s30 =	sshrl.u32 s7, $0x1  }
0xc: {  	s31 =	sshrl.u32 s11, $0x2;
	s8 =	sshrl.u32 s8, $0x3;
	s10 =	ssub.s32 s7, s30  }
0xd: {  	s7 =	sadd.s32 s31, s1;
	s12 =	sadd.s32 s9, s5;
	s8 =	sadd.s32 s8, s5  }
0xe: {  	s5 =	sadd.s32 s6, s9;
	s9 =	smax.u32 s10, $0x1;
	s10 =	sadd.s32 $0x4000, s7  }
0xf: {  	s11 =	sadd.s32 $0x8000, s7;
	s13 =	sadd.s32 $0x10000, s7;
	s19 =	sshrl.u32 s7, $0x3  }
0x10: {  	v0 =	vimm.f32 $0.0e+00;
	s6 =	sadd.s32 $0x3800, s12;
	s8 =	sadd.s32 $0x35800, s8;
	s12 =	sadd.s32 $0xC000, s7  }
.LBB2_1:
0x11: {  	[tilespmem:s3], [sflag:$0x1] =	stream.linear.gather [hbm4b:s5+s3], $0x2780, $0x38;
	[tilespmem:$0x1D000] =	vst v63  }
0x12: {  	_ =	swait.ge [sflag:s14], $0x2780  }
0x13: {  	[sflag:s14] =	ssyncset.done $0x0  }
0x14: {  	[sflag:s14] =	ssyncadd.s32 $0xFFFFD880  }
0x15: {  	[tilespmem:s15], [sflag:$0x1] =	stream.linear.gather [hbm4b:s6+s3], $0x2780, $0x38;
	[tilespmem:$0x1D000] =	vst v63  }
0x16: {  	_ =	swait.ge [sflag:s14], $0x2780  }
0x17: {  	[sflag:s14] =	ssyncset.done $0x0  }
0x18: {  	s21 =	simm.s32 $0x0;
	s22 =	simm.s32 $0x200;
	[sflag:s14] =	ssyncadd.s32 $0xFFFFD880  }
.LBB2_2:
0x19: {  	p0 =	sne.s32 s22, $0xFE00;
	[tilespmem:s21+$0x5070] =	vst v0  }
0x1a: {  	[tilespmem:s21+$0x5000] =	vst v0  }
0x1b: {  	[tilespmem:s21+$0x5010] =	vst v0  }
.Ltmp0:
0x1c: {  	[tilespmem:s21+$0x5020] =	vst v0;
	(pc) =	sbr.rel @p0 .LBB2_2-.Ltmp0, $4  }
0x1d: {  	[tilespmem:s21+$0x5030] =	vst v0  }
0x1e: {  	[tilespmem:s21+$0x5040] =	vst v0  }
0x1f: {  	[tilespmem:s21+$0x5050] =	vst v0  }
0x20: {  	[tilespmem:s21+$0x5060] =	vst v0;
	s21 =	sshra.s32 s22, $0x2;
	s22 =	sadd.s32 $0x200, s22  }
0x21: {  	[tilespmem:s21+$0x5070] =	vst v0  }
0x22: {  	[tilespmem:s21+$0x5000] =	vst v0  }
0x23: {  	[tilespmem:s21+$0x5010] =	vst v0  }
0x24: {  	[tilespmem:s21+$0x5020] =	vst v0  }
0x25: {  	[tilespmem:s21+$0x5030] =	vst v0  }
0x26: {  	[tilespmem:s21+$0x5040] =	vst v0  }
0x27: {  	[tilespmem:s21+$0x5050] =	vst v0  }
0x28: {  	[tilespmem:s21+$0x5060] =	vst v0  }
0x29: {  	[spmem:s7] =	stream.linear.scatter [tilespmem:s16], [sflag:$0x1], $0x4000, $0x38;
	[tilespmem:$0x1D000] =	vst v63  }
0x2a: {  	_ =	swait.ge [sflag:s14], $0x4000  }
0x2b: {  	[sflag:s14] =	ssyncset.done $0x0  }
0x2c: {  	[sflag:s14] =	ssyncadd.s32 $0xFFFFC000  }
0x2d: {  	[spmem:s10] =	stream.linear.scatter [tilespmem:s16], [sflag:$0x1], $0x4000, $0x38;
	[tilespmem:$0x1D000] =	vst v63  }
0x2e: {  	_ =	swait.ge [sflag:s14], $0x4000  }
0x2f: {  	[sflag:s14] =	ssyncset.done $0x0  }
0x30: {  	[sflag:s14] =	ssyncadd.s32 $0xFFFFC000  }
0x31: {  	[spmem:s11] =	stream.linear.scatter [tilespmem:s16], [sflag:$0x1], $0x4000, $0x38;
	[tilespmem:$0x1D000] =	vst v63  }
0x32: {  	_ =	swait.ge [sflag:s14], $0x4000  }
0x33: {  	[sflag:s14] =	ssyncset.done $0x0  }
0x34: {  	[sflag:s14] =	ssyncadd.s32 $0xFFFFC000  }
0x35: {  	[spmem:s12] =	stream.linear.scatter [tilespmem:s16], [sflag:$0x1], $0x4000, $0x38;
	[tilespmem:$0x1D000] =	vst v63  }
0x36: {  	_ =	swait.ge [sflag:s14], $0x4000  }
0x37: {  	[sflag:s14] =	ssyncset.done $0x0  }
0x38: {  	[sflag:s14] =	ssyncadd.s32 $0xFFFFC000  }
0x39: {  	[spmem:s13] =	stream.linear.scatter [tilespmem:s16], [sflag:$0x1], $0x4000, $0x38;
	[tilespmem:$0x1D000] =	vst v63  }
0x3a: {  	_ =	swait.ge [sflag:s14], $0x4000  }
0x3b: {  	[sflag:s14] =	ssyncset.done $0x0  }
0x3c: {  	[sflag:s14] =	ssyncadd.s32 $0xFFFFC000  }
0x3d: {  	s30 =	simm.s32 $0x0;
	[bflag:$0x0] =	sbarrier.arrive $0xFFFF  }
0x3e: {  	[tilespmem:s16], [sflag:$0x1] =	stream.indirect.gather [hbm4b:s4+s17], $0x80, s30, s17, $0xb8;
	[tilespmem:$0x1D000] =	vst v63  }
0x3f: {  	_ =	swait.ge [sflag:s14], $0x4000  }
0x40: {  	[sflag:s14] =	ssyncset.done $0x0  }
0x41: {  	s31 =	simm.s32 $0x2800;
	[sflag:s14] =	ssyncadd.s32 $0xFFFFC000  }
0x42: {  	[spmem:s1] =	stream.indirect.scatter.add.f32 [tilespmem:s16], [sflag:$0x1], $0x80, s31, s17, $0xb8;
	[tilespmem:$0x1D000] =	vst v63  }
0x43: {  	_ =	swait.ge [sflag:s14], $0x4000  }
0x44: {  	s21 =	simm.s32 $0x200;
	s22 =	simm.s32 $0x400;
	[sflag:s14] =	ssyncset.done $0x0  }
.LBB2_4:
0x45: {  	s23 =	sshra.s32 s21, $0x2  }
0x46: {  	[sflag:s14] =	ssyncadd.s32 $0xFFFFC000;
	s21 =	smov.u32 s22;
	s24 =	sadd.s32 $0x200, s22  }
0x47: {  	[tilespmem:s16], [sflag:$0x1] =	stream.indirect.gather [hbm4b:s4+s17], $0x80, s23, s17, $0xb8;
	[tilespmem:$0x1D000] =	vst v63  }
0x48: {  	p0 =	sne.s32 s22, $0x9C00;
	_ =	swait.ge [sflag:s14], $0x4000  }
.Ltmp1:
0x49: {  	[sflag:s14] =	ssyncset.done $0x0;
	(pc) =	sbr.rel @p0 .LBB2_4-.Ltmp1, $4  }
0x4a: {  	s22 =	sadd.s32 $0x2800, s23;
	[sflag:s14] =	ssyncadd.s32 $0xFFFFC000  }
0x4b: {  	[spmem:s1] =	stream.indirect.scatter.add.f32 [tilespmem:s16], [sflag:$0x1], $0x80, s22, s17, $0xb8;
	[tilespmem:$0x1D000] =	vst v63  }
0x4c: {  	_ =	swait.ge [sflag:s14], $0x4000  }
0x4d: {  	s22 =	smov.u32 s24;
	[sflag:s14] =	ssyncset.done $0x0  }
0x4e: {  	s21 =	sshra.s32 s21, $0x2;
	[sflag:s14] =	ssyncadd.s32 $0xFFFFC000  }
0x4f: {  	[tilespmem:s16], [sflag:$0x1] =	stream.indirect.gather [hbm4b:s4+s17], $0x80, s21, s17, $0xb8;
	[tilespmem:$0x1D000] =	vst v63  }
0x50: {  	_ =	swait.ge [sflag:s14], $0x4000  }
0x51: {  	[sflag:s14] =	ssyncset.done $0x0  }
0x52: {  	s21 =	sadd.s32 $0x2800, s21;
	[sflag:s14] =	ssyncadd.s32 $0xFFFFC000  }
0x53: {  	[spmem:s1] =	stream.indirect.scatter.add.f32 [tilespmem:s16], [sflag:$0x1], $0x80, s21, s17, $0xb8;
	[tilespmem:$0x1D000] =	vst v63  }
0x54: {  	_ =	swait.ge [sflag:s14], $0x4000  }
0x55: {  	s20 =	sadd.s32 $0x1, s20;
	[sflag:s14] =	ssyncset.done $0x0  }
0x56: {  	p0 =	sne.s32 s20, s9;
	[sflag:s14] =	ssyncadd.s32 $0xFFFFC000  }
.Ltmp2:
0x57: {  	[bflag:$0x0] =	sbarrier.arrive $0xFFFF;
	(pc) =	sbr.rel @p0 .LBB2_1-.Ltmp2, $4  }
0x58: {  	[hbm:s8], [sflag:s18] =	dma.local [spmem:s19], $0x2800  }
0x59: {  	_ =	swait.ge [sflag:s14], $0x2800  }
0x5a: {  	[sflag:s14] =	ssyncset.done $0x0  }
0x5b: {  	[sflag:s14] =	ssyncadd.s32 $0xFFFFD800  }
0x5c: {  	_ =	sfence.sel $0x180000  }
0x5d: {  	[bflag:$0x0] =	sbarrier.arrive $0xFFFF  }
0x5e: {  	p0 =	sne.s32 s2, $0x0;
	_ =	strace $0x90000050  }
0x5f: {  	s0 =	sadd.s32 @!p0 $0x100000, s0;
	[bflag:$0x2] =	sbarrier.arrive $0xFFFF  }
0x60: {  	[sflag:s0] =	ssyncadd.tile.s32 @!p0 $0x1;
	_ =	shalt  }
.Lfunc_end2:
_tile_overlayer_lowered:
.L_overlay_start_2:
0x61: {  	(tag) =	ssettag $0x2  }
0x62: {  	s0 =	rddreg [dreg:$0x0];
	s2 =	stileid.u32  }
0x63: {  	s1 =	rddreg [dreg:$0x1];
	p0 =	sne.s32 s2, $0x0  }
0x64: {  	s3 =	rddreg [dreg:$0x2];
	[bflag:$0x3] =	sbarrier.arrive $0xFFFF;
	s2 =	simm.s32 @!p0 $0x1C01  }
0x65: {  	[timem:s3], [sflag:s2] =	dma.local @!p0 [hbm:s0], s1  }
0x66: {  	s0 =	simm.s32 @!p0 $0x1  }
0x67: {  	_ =	swait.ge @!p0 [sflag:s0], s1  }
0x68: {  	s1 =	ssub.s32 @!p0 $0x0, s1;
	[sflag:s0] =	ssyncset.done @!p0 $0x0  }
0x69: {  	[sflag:s0] =	ssyncadd.s32 @!p0 s1  }
0x6a: {  	[bflag:$0x3] =	sbarrier.arrive $0xFFFF  }
0x6b: {  	_ =	shalt  }

</sc_bundles>
